<compile_context>
chip_gen: v7x
topology: tpu7x:2x2x1
jax: 0.10.2.dev20260603
libtpu: 0.0.44.dev20260713+nightly
codegen_flags: <defaults>
</compile_context>

<pallas_src>
import functools

import jax
import jax.numpy as jnp
from jax import lax
from jax.experimental import pallas as pl
from jax.experimental.pallas import tpu as pltpu
from jax.experimental.pallas import tpu_sc as plsc

N_NODES = 10000
N_EDGES = 320000
D = 128
N_GRAPHS = 64

NP = 10112
PAD_E = 327680
CHUNK = 128
CHUNKS_PER_W = 80
CHUNKS_FAST = 128
CHUNKS_SLOW = 32
STAGE = 32
RPT = NP // 16

H_CONST = 6.62607015e-34
KB_CONST = 1.380649e-23
J_TO_KCAL = 4184.0
R_CONST = 8.31
TEMPERATURE = 273.0 + 80.0
S_TO_H = 3.6


def _pre_body(nf_ref, wm_ref, bm_ref, wu_ref, bu_ref, phi_ref, upd_ref):
    nf = nf_ref[...]
    phi_ref[...] = jnp.dot(nf, wm_ref[...],
                           preferred_element_type=jnp.float32) + bm_ref[...]
    upd_ref[...] = jnp.dot(nf, wu_ref[...],
                           preferred_element_type=jnp.float32) + bu_ref[...]


def _dense_pre(nf, W_msg, b_msg, W_upd, b_upd):
    blk = 1000
    grid = N_NODES // blk
    return pl.pallas_call(
        _pre_body,
        grid=(grid,),
        in_specs=[
            pl.BlockSpec((blk, D), lambda i: (i, 0)),
            pl.BlockSpec((D, D), lambda i: (0, 0)),
            pl.BlockSpec((1, D), lambda i: (0, 0)),
            pl.BlockSpec((D, D), lambda i: (0, 0)),
            pl.BlockSpec((1, D), lambda i: (0, 0)),
        ],
        out_specs=[
            pl.BlockSpec((blk, D), lambda i: (i, 0)),
            pl.BlockSpec((blk, D), lambda i: (i, 0)),
        ],
        out_shape=[
            jax.ShapeDtypeStruct((N_NODES, D), jnp.float32),
            jax.ShapeDtypeStruct((N_NODES, D), jnp.float32),
        ],
    )(nf, W_msg, b_msg.reshape(1, D), W_upd, b_upd.reshape(1, D))


def _edge_body(phi_hbm, srcs_hbm, dsts_hbm, zeros_hbm, out_hbm,
               sidx_all, didx_all, rows0, rows1, aggsh, sem0, sem1):
    c = lax.axis_index("c")
    s = lax.axis_index("s")

    pltpu.sync_copy(zeros_hbm.at[pl.ds(s * RPT, RPT)],
                    aggsh.at[pl.ds(s * RPT, RPT)])

    plsc.subcore_barrier()

    base = jnp.where(c == 0, s * CHUNKS_FAST,
                     16 * CHUNKS_FAST + s * CHUNKS_SLOW)
    nstage = jnp.where(c == 0, CHUNKS_FAST // STAGE, CHUNKS_SLOW // STAGE)

    def stage_loop(st, carry):
        sbase = base + st * STAGE
        pltpu.sync_copy(srcs_hbm.at[pl.ds(sbase, STAGE)], sidx_all)
        pltpu.sync_copy(dsts_hbm.at[pl.ds(sbase, STAGE)], didx_all)

        pltpu.async_copy(phi_hbm.at[sidx_all.at[0]], rows0, sem0)

        def body(i, carry2):
            j = 2 * i
            pltpu.async_copy(phi_hbm.at[sidx_all.at[j + 1]], rows1, sem1)
            pltpu.make_async_copy(phi_hbm.at[sidx_all.at[j]], rows0,
                                  sem0).wait()
            pltpu.sync_copy(rows0, aggsh.at[didx_all.at[j]], add=True)

            @pl.when(j + 2 < STAGE)
            def _():
                pltpu.async_copy(phi_hbm.at[sidx_all.at[j + 2]], rows0, sem0)

            pltpu.make_async_copy(phi_hbm.at[sidx_all.at[j + 1]], rows1,
                                  sem1).wait()
            pltpu.sync_copy(rows1, aggsh.at[didx_all.at[j + 1]], add=True)
            return carry2

        lax.fori_loop(0, STAGE // 2, body, 0)
        return carry

    lax.fori_loop(0, nstage, stage_loop, 0)

    plsc.subcore_barrier()
    pltpu.sync_copy(aggsh.at[pl.ds(s * RPT, RPT)],
                    out_hbm.at[c, pl.ds(s * RPT, RPT)])


def _edge_scatter(phi, srcs, dsts, zeros):
    mesh = plsc.VectorSubcoreMesh(core_axis_name="c", subcore_axis_name="s")
    k = functools.partial(
        pl.kernel,
        mesh=mesh,
        out_type=jax.ShapeDtypeStruct((2, NP, D), jnp.float32),
        scratch_types=[
            pltpu.VMEM((STAGE, CHUNK), jnp.int32),
            pltpu.VMEM((STAGE, CHUNK), jnp.int32),
            pltpu.VMEM((CHUNK, D), jnp.float32),
            pltpu.VMEM((CHUNK, D), jnp.float32),
            pltpu.VMEM_SHARED((NP, D), jnp.float32),
            pltpu.SemaphoreType.DMA,
            pltpu.SemaphoreType.DMA,
        ],
    )(_edge_body)
    return k(phi, srcs, dsts, zeros)


def _head_body(upd_ref, agg_ref, gid_ref, rc_ref, we1_ref, be1_ref,
               we2_ref, be2_ref, wo_ref, bo_ref, out_ref):
    agg = agg_ref[0, :N_NODES, :] + agg_ref[1, :N_NODES, :]
    h = jnp.maximum(upd_ref[...] + agg, 0.0)

    gids = gid_ref[...]
    iota = lax.broadcasted_iota(jnp.int32, (N_GRAPHS, N_NODES), 0)
    onehot_t = (iota == gids.reshape(1, N_NODES)).astype(jnp.float32)
    sums = jnp.dot(onehot_t, h, preferred_element_type=jnp.float32)
    counts = jnp.sum(onehot_t, axis=1, keepdims=True)
    pooled = sums / jnp.maximum(counts, 1.0)

    def leaky(x):
        return jnp.where(x >= 0.0, x, 0.01 * x)

    rc = rc_ref[...]
    e1 = leaky(jnp.dot(rc, we1_ref[:D, :], preferred_element_type=jnp.float32)
               + jnp.dot(pooled, we1_ref[D:, :], preferred_element_type=jnp.float32)
               + be1_ref[...])
    e2 = leaky(jnp.dot(pooled, we2_ref[...], preferred_element_type=jnp.float32)
               + be2_ref[...])
    o = leaky(jnp.dot(e1, wo_ref[:256, :], preferred_element_type=jnp.float32)
              + jnp.dot(e2, wo_ref[256:, :], preferred_element_type=jnp.float32)
              + bo_ref[...])
    out_ref[...] = (KB_CONST * TEMPERATURE / H_CONST / S_TO_H
                    * jnp.exp(-o * J_TO_KCAL / R_CONST / TEMPERATURE))


def _head(upd, agg, gids2d, rc, W_E1, b_E1, W_E2, b_E2, W_out, b_out):
    return pl.pallas_call(
        _head_body,
        out_shape=jax.ShapeDtypeStruct((N_GRAPHS, 384), jnp.float32),
    )(upd, agg, gids2d, rc, W_E1, b_E1.reshape(1, 256),
      W_E2, b_E2.reshape(1, D), W_out, b_out.reshape(1, 384))


def kernel(reactant_data, node_feats, edge_index, graph_ids,
           W_msg, b_msg, W_upd, b_upd, W_E1, b_E1, W_E2, b_E2, W_out, b_out):
    src = edge_index[0].astype(jnp.int32)
    dst = edge_index[1].astype(jnp.int32)
    npad = PAD_E - N_EDGES
    pad_dst = N_NODES + (jnp.arange(npad, dtype=jnp.int32) % (NP - N_NODES))
    srcs = jnp.concatenate([src, jnp.zeros((npad,), jnp.int32)]).reshape(-1, CHUNK)
    dsts = jnp.concatenate([dst, pad_dst]).reshape(-1, CHUNK)
    zeros = jnp.zeros((NP, D), jnp.float32)
    gids2d = graph_ids.astype(jnp.int32).reshape(N_NODES, 1)

    phi, upd = _dense_pre(node_feats, W_msg, b_msg, W_upd, b_upd)
    agg = _edge_scatter(phi, srcs, dsts, zeros)
    return _head(upd, agg, gids2d, reactant_data,
                 W_E1, b_E1, W_E2, b_E2, W_out, b_out)

# --- scband reference (transcript-rebuilt; emitter-appended) ---
"""Pipeline reference for scband-custom-model-2937757630786 (READ-ONLY COPY).

The authoritative reference and input builder live on the scoring server;
editing this copy changes nothing except your own understanding.
"""

import jax, jax.numpy as jnp
import numpy as np

N_NODES = 10000
N_EDGES = 320000
D_FEAT = 128
N_GRAPHS = 64

H_CONST = 6.62607015e-34
KB_CONST = 1.380649e-23
J_TO_KCAL = 4184.0
R_CONST = 8.31
TEMPERATURE = 273.0 + 80.0
S_TO_H = 3.6


def setup_inputs(seed: int = 0) -> dict:
    key = jax.random.key(seed)
    ks = jax.random.split(key, 16)
    reactant_data = jax.random.normal(ks[0], (N_GRAPHS, D_FEAT), dtype=jnp.float32)
    node_feats = jax.random.normal(ks[1], (N_NODES, D_FEAT), dtype=jnp.float32) * 0.1
    edge_index = jax.random.randint(ks[2], (2, N_EDGES), 0, N_NODES, dtype=jnp.int64)
    graph_ids = jnp.sort(jax.random.randint(ks[3], (N_NODES,), 0, N_GRAPHS, dtype=jnp.int64))
    def lin(k, din, dout):
        k1, k2 = jax.random.split(k)
        W = jax.random.normal(k1, (din, dout), dtype=jnp.float32) / np.sqrt(din)
        b = jnp.zeros((dout,), dtype=jnp.float32)
        return W, b
    W_msg, b_msg = lin(ks[4], D_FEAT, D_FEAT)
    W_upd, b_upd = lin(ks[5], D_FEAT, D_FEAT)
    W_E1, b_E1 = lin(ks[6], 256, 256)
    W_E2, b_E2 = lin(ks[7], 128, 128)
    W_out, b_out = lin(ks[8], 384, 384)
    return {
        "reactant_data": reactant_data,
        "node_feats": node_feats,
        "edge_index": edge_index,
        "graph_ids": graph_ids,
        "W_msg": W_msg, "b_msg": b_msg,
        "W_upd": W_upd, "b_upd": b_upd,
        "W_E1": W_E1, "b_E1": b_E1,
        "W_E2": W_E2, "b_E2": b_E2,
        "W_out": W_out, "b_out": b_out,
    }


def _mpnn(node_feats, edge_index, graph_ids, W_msg, b_msg, W_upd, b_upd):
    src = edge_index[0]
    dst = edge_index[1]
    # message: gather source node features, linear transform
    msg = jnp.take(node_feats, src, axis=0) @ W_msg + b_msg
    # aggregate: scatter-add messages to destination nodes
    agg = jax.ops.segment_sum(msg, dst, num_segments=N_NODES)
    # update
    h = jax.nn.relu(node_feats @ W_upd + b_upd + agg)
    # global mean pool per graph (readout)
    sums = jax.ops.segment_sum(h, graph_ids, num_segments=N_GRAPHS)
    counts = jax.ops.segment_sum(jnp.ones((N_NODES, 1), dtype=h.dtype), graph_ids, num_segments=N_GRAPHS)
    return sums / jnp.clip(counts, 1.0)


def _compute_arrhenius(Ea):
    return KB_CONST * TEMPERATURE / H_CONST / S_TO_H * jnp.exp(-Ea * J_TO_KCAL / R_CONST / TEMPERATURE)


def reference(reactant_data, node_feats, edge_index, graph_ids,
              W_msg, b_msg, W_upd, b_upd, W_E1, b_E1, W_E2, b_E2, W_out, b_out):
    lig_inputs = _mpnn(node_feats, edge_index, graph_ids, W_msg, b_msg, W_upd, b_upd)
    inputs_E1 = jnp.concatenate([reactant_data, lig_inputs], axis=1)
    inputs_E1 = jax.nn.leaky_relu(inputs_E1 @ W_E1 + b_E1, negative_slope=0.01)
    inputs_E2 = jax.nn.leaky_relu(lig_inputs @ W_E2 + b_E2, negative_slope=0.01)
    concatenated = jnp.concatenate([inputs_E1, inputs_E2], axis=1)
    outputs = jax.nn.leaky_relu(concatenated @ W_out + b_out, negative_slope=0.01)
    outputs = _compute_arrhenius(outputs)
    return outputs

if __name__ == "__main__":
    import jax
    _d = setup_inputs()
    print(jax.jit(kernel)(*tuple(_d.values())))

</pallas_src>

<mosaic_0001>
#map = affine_map<(d0, d1) -> (0, 0)>
#map1 = affine_map<(d0, d1) -> (0, 0, 0)>
module attributes {stable_mosaic.version = 14 : i64} {
  func.func @_edge_body(%arg0: i32, %arg1: i32, %arg2: memref<10000x128xf32, #tpu.memory_space<hbm>>, %arg3: memref<2560x128xi32, #tpu.memory_space<hbm>>, %arg4: memref<2560x128xi32, #tpu.memory_space<hbm>>, %arg5: memref<10112x128xf32, #tpu.memory_space<hbm>>, %arg6: memref<2x10112x128xf32, #tpu.memory_space<hbm>>, %arg7: memref<32x128xi32, #tpu.memory_space<vmem>>, %arg8: memref<32x128xi32, #tpu.memory_space<vmem>>, %arg9: memref<128x128xf32, #tpu.memory_space<vmem>>, %arg10: memref<128x128xf32, #tpu.memory_space<vmem>>, %arg11: memref<10112x128xf32, #tpu.memory_space<vmem_shared>>, %arg12: memref<!tpu.dma_semaphore, #tpu.memory_space<semaphore_mem>>, %arg13: memref<!tpu.dma_semaphore, #tpu.memory_space<semaphore_mem>>) attributes {dimension_semantics = [#tpu.dimension_semantics<core_parallel>, #tpu.dimension_semantics<subcore_parallel>], iteration_bounds = array<i64: 2, 16>, scalar_prefetch = 0 : i64, scratch_operands = 7 : i64, tpu.core_type = #tpu.core_type<sc_vector_subcore>, window_params = [{transform_indices = #map}, {transform_indices = #map}, {transform_indices = #map}, {transform_indices = #map}, {transform_indices = #map1}]} {
    %mul3A = arith.constant 632 : i32
    %mul3A_0 = arith.muli %arg1, %mul3A : i32
    %mul3A_1 = arith.constant 632 : i32
    %mul3A_2 = arith.muli %arg1, %mul3A_1 : i32
    "tpu.region"() ({
      %run_scoped3A = tpu.sem_alloc : memref<!tpu.dma_semaphore, #tpu.memory_space<semaphore_mem>>
      %dma_start3A = arith.constant 0 : i32
      %dma_start3A_27 = tpu.memref_slice %arg11[%mul3A_2, %dma_start3A] : memref<10112x128xf32, #tpu.memory_space<vmem_shared>> -> memref<632x128xf32, #tpu.memory_space<vmem_shared>>
      %dma_start3A_28 = arith.constant 0 : i32
      %dma_start3A_29 = tpu.memref_slice %arg5[%mul3A_0, %dma_start3A_28] : memref<10112x128xf32, #tpu.memory_space<hbm>> -> memref<632x128xf32, #tpu.memory_space<hbm>>
      tpu.enqueue_dma source(%dma_start3A_29 : memref<632x128xf32, #tpu.memory_space<hbm>>) target(%dma_start3A_27 : memref<632x128xf32, #tpu.memory_space<vmem_shared>>) target_semaphore(%run_scoped3A : memref<!tpu.dma_semaphore, #tpu.memory_space<semaphore_mem>>)
      %dma_wait3A = arith.constant 0 : i32
      %dma_wait3A_30 = tpu.memref_slice %arg11[%mul3A_2, %dma_wait3A] : memref<10112x128xf32, #tpu.memory_space<vmem_shared>> -> memref<632x128xf32, #tpu.memory_space<vmem_shared>>
      %dma_wait3A_31 = arith.constant 0 : i32
      %dma_wait3A_32 = tpu.memref_slice %arg5[%mul3A_0, %dma_wait3A_31] : memref<10112x128xf32, #tpu.memory_space<hbm>> -> memref<632x128xf32, #tpu.memory_space<hbm>>
      tpu.wait_dma2 semaphore(%run_scoped3A : memref<!tpu.dma_semaphore, #tpu.memory_space<semaphore_mem>>) src(%dma_wait3A_32 : memref<632x128xf32, #tpu.memory_space<hbm>>) dst(%dma_wait3A_30 : memref<632x128xf32, #tpu.memory_space<vmem_shared>>)
      tpu.yield
    }) : () -> ()
    %barrier3A = arith.constant 0 : index
    tpu.barrier barrier_id(%barrier3A)
    %eq3A = arith.constant 0 : i32
    %eq3A_3 = arith.cmpi eq, %arg0, %eq3A : i32
    %mul3A_4 = arith.constant 128 : i32
    %mul3A_5 = arith.muli %arg1, %mul3A_4 : i32
    %mul3A_6 = arith.constant 32 : i32
    %mul3A_7 = arith.muli %arg1, %mul3A_6 : i32
    %add3A = arith.constant 2048 : i32
    %add3A_8 = arith.addi %add3A, %mul3A_7 : i32
    %select_n3A = arith.select %eq3A_3, %mul3A_5, %add3A_8 : i32
    %eq3A_9 = arith.constant 0 : i32
    %eq3A_10 = arith.cmpi eq, %arg0, %eq3A_9 : i32
    %jit3A = arith.constant 4 : i32
    %jit3A_11 = arith.constant 1 : i32
    %select_n3A_12 = arith.select %eq3A_10, %jit3A, %jit3A_11 : i32
    %while3A = arith.constant 0 : i32
    %while3A_13 = arith.constant 0 : i32
    %while3A_14 = arith.subi %select_n3A_12, %while3A_13 : i32
    %while3A_15 = arith.addi %while3A_13, %while3A_14 : i32
    %while3A_16 = arith.constant 1 : i32
    %while3A_17 = arith.divsi %while3A_14, %while3A_16 : i32
    %while3A_18 = arith.muli %while3A_17, %while3A_16 : i32
    %while3A_19 = arith.addi %while3A_13, %while3A_18 : i32
    %while3A_20 = arith.constant 1 : i32
    scf.for %while3A_27 = %while3A_13 to %while3A_19 step %while3A_20  : i32 {
      %mul3A_28 = arith.constant 32 : i32
      %mul3A_29 = arith.muli %while3A_27, %mul3A_28 : i32
      %add3A_30 = arith.addi %select_n3A, %mul3A_29 : i32
      "tpu.region"() ({
        %run_scoped3A = tpu.sem_alloc : memref<!tpu.dma_semaphore, #tpu.memory_space<semaphore_mem>>
        %dma_start3A_42 = arith.constant 0 : i32
        %dma_start3A_43 = tpu.memref_slice %arg3[%add3A_30, %dma_start3A_42] : memref<2560x128xi32, #tpu.memory_space<hbm>> -> memref<32x128xi32, #tpu.memory_space<hbm>>
        %dma_start3A_44 = arith.constant 0 : i32
        %dma_start3A_45 = tpu.memref_slice %arg3[%add3A_30, %dma_start3A_44] : memref<2560x128xi32, #tpu.memory_space<hbm>> -> memref<32x128xi32, #tpu.memory_space<hbm>>
        tpu.enqueue_dma source(%dma_start3A_45 : memref<32x128xi32, #tpu.memory_space<hbm>>) target(%arg7 : memref<32x128xi32, #tpu.memory_space<vmem>>) target_semaphore(%run_scoped3A : memref<!tpu.dma_semaphore, #tpu.memory_space<semaphore_mem>>)
        %dma_wait3A = arith.constant 0 : i32
        %dma_wait3A_46 = tpu.memref_slice %arg3[%add3A_30, %dma_wait3A] : memref<2560x128xi32, #tpu.memory_space<hbm>> -> memref<32x128xi32, #tpu.memory_space<hbm>>
        %dma_wait3A_47 = arith.constant 0 : i32
        %dma_wait3A_48 = tpu.memref_slice %arg3[%add3A_30, %dma_wait3A_47] : memref<2560x128xi32, #tpu.memory_space<hbm>> -> memref<32x128xi32, #tpu.memory_space<hbm>>
        tpu.wait_dma2 semaphore(%run_scoped3A : memref<!tpu.dma_semaphore, #tpu.memory_space<semaphore_mem>>) src(%dma_wait3A_48 : memref<32x128xi32, #tpu.memory_space<hbm>>) dst(%arg7 : memref<32x128xi32, #tpu.memory_space<vmem>>)
        tpu.yield
      }) : () -> ()
      "tpu.region"() ({
        %run_scoped3A = tpu.sem_alloc : memref<!tpu.dma_semaphore, #tpu.memory_space<semaphore_mem>>
        %dma_start3A_42 = arith.constant 0 : i32
        %dma_start3A_43 = tpu.memref_slice %arg4[%add3A_30, %dma_start3A_42] : memref<2560x128xi32, #tpu.memory_space<hbm>> -> memref<32x128xi32, #tpu.memory_space<hbm>>
        %dma_start3A_44 = arith.constant 0 : i32
        %dma_start3A_45 = tpu.memref_slice %arg4[%add3A_30, %dma_start3A_44] : memref<2560x128xi32, #tpu.memory_space<hbm>> -> memref<32x128xi32, #tpu.memory_space<hbm>>
        tpu.enqueue_dma source(%dma_start3A_45 : memref<32x128xi32, #tpu.memory_space<hbm>>) target(%arg8 : memref<32x128xi32, #tpu.memory_space<vmem>>) target_semaphore(%run_scoped3A : memref<!tpu.dma_semaphore, #tpu.memory_space<semaphore_mem>>)
        %dma_wait3A = arith.constant 0 : i32
        %dma_wait3A_46 = tpu.memref_slice %arg4[%add3A_30, %dma_wait3A] : memref<2560x128xi32, #tpu.memory_space<hbm>> -> memref<32x128xi32, #tpu.memory_space<hbm>>
        %dma_wait3A_47 = arith.constant 0 : i32
        %dma_wait3A_48 = tpu.memref_slice %arg4[%add3A_30, %dma_wait3A_47] : memref<2560x128xi32, #tpu.memory_space<hbm>> -> memref<32x128xi32, #tpu.memory_space<hbm>>
        tpu.wait_dma2 semaphore(%run_scoped3A : memref<!tpu.dma_semaphore, #tpu.memory_space<semaphore_mem>>) src(%dma_wait3A_48 : memref<32x128xi32, #tpu.memory_space<hbm>>) dst(%arg8 : memref<32x128xi32, #tpu.memory_space<vmem>>)
        tpu.yield
      }) : () -> ()
      %dma_start3A = arith.constant 0 : i32
      %dma_start3A_31 = arith.constant 0 : i32
      %dma_start3A_32 = tpu.memref_slice %arg7[%dma_start3A, %dma_start3A_31] : memref<32x128xi32, #tpu.memory_space<vmem>> -> memref<1x128xi32, #tpu.memory_space<vmem>>
      %dma_start3A_33 = tpu.memref_squeeze %dma_start3A_32 : memref<1x128xi32, #tpu.memory_space<vmem>> -> memref<128xi32, #tpu.memory_space<vmem>>
      %dma_start3A_34 = arith.constant 0 : i32
      %dma_start3A_35 = arith.constant 0 : i32
      %dma_start3A_36 = tpu.memref_slice %arg2[%dma_start3A_34, %dma_start3A_35] : memref<10000x128xf32, #tpu.memory_space<hbm>> -> memref<10000x128xf32, #tpu.memory_space<hbm>>
      tpu.enqueue_indirect_dma source(%dma_start3A_36 : memref<10000x128xf32, #tpu.memory_space<hbm>>) target(%arg9 : memref<128x128xf32, #tpu.memory_space<vmem>>) offsets(%dma_start3A_33 : memref<128xi32, #tpu.memory_space<vmem>>) semaphore(%arg12 : memref<!tpu.dma_semaphore, #tpu.memory_space<semaphore_mem>>)
      %scan3A = arith.constant 0 : i32
      %scan3A_37 = arith.constant 0 : i32
      %scan3A_38 = arith.constant 16 : i32
      %scan3A_39 = arith.addi %scan3A_37, %scan3A_38 : i32
      %scan3A_40 = arith.constant 1 : i32
      scf.for %scan3A_42 = %scan3A_37 to %scan3A_39 step %scan3A_40  : i32 {
        %mul3A_43 = arith.constant 2 : i32
        %mul3A_44 = arith.muli %mul3A_43, %scan3A_42 : i32
        %add3A_45 = arith.constant 1 : i32
        %add3A_46 = arith.addi %mul3A_44, %add3A_45 : i32
        %dma_start3A_47 = arith.constant 0 : i32
        %dma_start3A_48 = tpu.memref_slice %arg7[%add3A_46, %dma_start3A_47] : memref<32x128xi32, #tpu.memory_space<vmem>> -> memref<1x128xi32, #tpu.memory_space<vmem>>
        %dma_start3A_49 = tpu.memref_squeeze %dma_start3A_48 : memref<1x128xi32, #tpu.memory_space<vmem>> -> memref<128xi32, #tpu.memory_space<vmem>>
        %dma_start3A_50 = arith.constant 0 : i32
        %dma_start3A_51 = arith.constant 0 : i32
        %dma_start3A_52 = tpu.memref_slice %arg2[%dma_start3A_50, %dma_start3A_51] : memref<10000x128xf32, #tpu.memory_space<hbm>> -> memref<10000x128xf32, #tpu.memory_space<hbm>>
        tpu.enqueue_indirect_dma source(%dma_start3A_52 : memref<10000x128xf32, #tpu.memory_space<hbm>>) target(%arg10 : memref<128x128xf32, #tpu.memory_space<vmem>>) offsets(%dma_start3A_49 : memref<128xi32, #tpu.memory_space<vmem>>) semaphore(%arg13 : memref<!tpu.dma_semaphore, #tpu.memory_space<semaphore_mem>>)
        %dma_wait3A = arith.constant 0 : i32
        %dma_wait3A_53 = tpu.memref_slice %arg7[%mul3A_44, %dma_wait3A] : memref<32x128xi32, #tpu.memory_space<vmem>> -> memref<1x128xi32, #tpu.memory_space<vmem>>
        %dma_wait3A_54 = tpu.memref_squeeze %dma_wait3A_53 : memref<1x128xi32, #tpu.memory_space<vmem>> -> memref<128xi32, #tpu.memory_space<vmem>>
        %dma_wait3A_55 = arith.constant 0 : i32
        %dma_wait3A_56 = arith.constant 0 : i32
        %dma_wait3A_57 = tpu.memref_slice %arg2[%dma_wait3A_55, %dma_wait3A_56] : memref<10000x128xf32, #tpu.memory_space<hbm>> -> memref<10000x128xf32, #tpu.memory_space<hbm>>
        tpu.wait_indirect_dma semaphore(%arg12 : memref<!tpu.dma_semaphore, #tpu.memory_space<semaphore_mem>>) src(%dma_wait3A_57 : memref<10000x128xf32, #tpu.memory_space<hbm>>) dst(%arg9 : memref<128x128xf32, #tpu.memory_space<vmem>>)
        "tpu.region"() ({
          %run_scoped3A = tpu.sem_alloc : memref<!tpu.dma_semaphore, #tpu.memory_space<semaphore_mem>>
          %dma_start3A_72 = arith.constant 0 : i32
          %dma_start3A_73 = tpu.memref_slice %arg8[%mul3A_44, %dma_start3A_72] : memref<32x128xi32, #tpu.memory_space<vmem>> -> memref<1x128xi32, #tpu.memory_space<vmem>>
          %dma_start3A_74 = tpu.memref_squeeze %dma_start3A_73 : memref<1x128xi32, #tpu.memory_space<vmem>> -> memref<128xi32, #tpu.memory_space<vmem>>
          %dma_start3A_75 = arith.constant 0 : i32
          %dma_start3A_76 = arith.constant 0 : i32
          %dma_start3A_77 = tpu.memref_slice %arg11[%dma_start3A_75, %dma_start3A_76] : memref<10112x128xf32, #tpu.memory_space<vmem_shared>> -> memref<10112x128xf32, #tpu.memory_space<vmem_shared>>
          tpu.enqueue_indirect_dma source(%arg9 : memref<128x128xf32, #tpu.memory_space<vmem>>) target(%dma_start3A_77 : memref<10112x128xf32, #tpu.memory_space<vmem_shared>>) offsets(%dma_start3A_74 : memref<128xi32, #tpu.memory_space<vmem>>) semaphore(%run_scoped3A : memref<!tpu.dma_semaphore, #tpu.memory_space<semaphore_mem>>) {add = true}
          %dma_wait3A_78 = arith.constant 0 : i32
          %dma_wait3A_79 = tpu.memref_slice %arg8[%mul3A_44, %dma_wait3A_78] : memref<32x128xi32, #tpu.memory_space<vmem>> -> memref<1x128xi32, #tpu.memory_space<vmem>>
          %dma_wait3A_80 = tpu.memref_squeeze %dma_wait3A_79 : memref<1x128xi32, #tpu.memory_space<vmem>> -> memref<128xi32, #tpu.memory_space<vmem>>
          %dma_wait3A_81 = arith.constant 0 : i32
          %dma_wait3A_82 = arith.constant 0 : i32
          %dma_wait3A_83 = tpu.memref_slice %arg11[%dma_wait3A_81, %dma_wait3A_82] : memref<10112x128xf32, #tpu.memory_space<vmem_shared>> -> memref<10112x128xf32, #tpu.memory_space<vmem_shared>>
          tpu.wait_indirect_dma semaphore(%run_scoped3A : memref<!tpu.dma_semaphore, #tpu.memory_space<semaphore_mem>>) src(%arg9 : memref<128x128xf32, #tpu.memory_space<vmem>>) dst(%dma_wait3A_83 : memref<10112x128xf32, #tpu.memory_space<vmem_shared>>)
          tpu.yield
        }) : () -> ()
        %add3A_58 = arith.constant 2 : i32
        %add3A_59 = arith.addi %mul3A_44, %add3A_58 : i32
        %lt3A = arith.constant 32 : i32
        %lt3A_60 = arith.cmpi slt, %add3A_59, %lt3A : i32
        %convert_element_type3A = arith.extui %lt3A_60 : i1 to i32
        %cond3A = arith.constant 0 : i32
        %cond3A_61 = arith.cmpi ne, %convert_element_type3A, %cond3A : i32
        scf.if %cond3A_61 {
          %add3A_72 = arith.constant 2 : i32
          %add3A_73 = arith.addi %mul3A_44, %add3A_72 : i32
          %dma_start3A_74 = arith.constant 0 : i32
          %dma_start3A_75 = tpu.memref_slice %arg7[%add3A_73, %dma_start3A_74] : memref<32x128xi32, #tpu.memory_space<vmem>> -> memref<1x128xi32, #tpu.memory_space<vmem>>
          %dma_start3A_76 = tpu.memref_squeeze %dma_start3A_75 : memref<1x128xi32, #tpu.memory_space<vmem>> -> memref<128xi32, #tpu.memory_space<vmem>>
          %dma_start3A_77 = arith.constant 0 : i32
          %dma_start3A_78 = arith.constant 0 : i32
          %dma_start3A_79 = tpu.memref_slice %arg2[%dma_start3A_77, %dma_start3A_78] : memref<10000x128xf32, #tpu.memory_space<hbm>> -> memref<10000x128xf32, #tpu.memory_space<hbm>>
          tpu.enqueue_indirect_dma source(%dma_start3A_79 : memref<10000x128xf32, #tpu.memory_space<hbm>>) target(%arg9 : memref<128x128xf32, #tpu.memory_space<vmem>>) offsets(%dma_start3A_76 : memref<128xi32, #tpu.memory_space<vmem>>) semaphore(%arg12 : memref<!tpu.dma_semaphore, #tpu.memory_space<semaphore_mem>>)
        } else {
        }
        %add3A_62 = arith.constant 1 : i32
        %add3A_63 = arith.addi %mul3A_44, %add3A_62 : i32
        %dma_wait3A_64 = arith.constant 0 : i32
        %dma_wait3A_65 = tpu.memref_slice %arg7[%add3A_63, %dma_wait3A_64] : memref<32x128xi32, #tpu.memory_space<vmem>> -> memref<1x128xi32, #tpu.memory_space<vmem>>
        %dma_wait3A_66 = tpu.memref_squeeze %dma_wait3A_65 : memref<1x128xi32, #tpu.memory_space<vmem>> -> memref<128xi32, #tpu.memory_space<vmem>>
        %dma_wait3A_67 = arith.constant 0 : i32
        %dma_wait3A_68 = arith.constant 0 : i32
        %dma_wait3A_69 = tpu.memref_slice %arg2[%dma_wait3A_67, %dma_wait3A_68] : memref<10000x128xf32, #tpu.memory_space<hbm>> -> memref<10000x128xf32, #tpu.memory_space<hbm>>
        tpu.wait_indirect_dma semaphore(%arg13 : memref<!tpu.dma_semaphore, #tpu.memory_space<semaphore_mem>>) src(%dma_wait3A_69 : memref<10000x128xf32, #tpu.memory_space<hbm>>) dst(%arg10 : memref<128x128xf32, #tpu.memory_space<vmem>>)
        %add3A_70 = arith.constant 1 : i32
        %add3A_71 = arith.addi %mul3A_44, %add3A_70 : i32
        "tpu.region"() ({
          %run_scoped3A = tpu.sem_alloc : memref<!tpu.dma_semaphore, #tpu.memory_space<semaphore_mem>>
          %dma_start3A_72 = arith.constant 0 : i32
          %dma_start3A_73 = tpu.memref_slice %arg8[%add3A_71, %dma_start3A_72] : memref<32x128xi32, #tpu.memory_space<vmem>> -> memref<1x128xi32, #tpu.memory_space<vmem>>
          %dma_start3A_74 = tpu.memref_squeeze %dma_start3A_73 : memref<1x128xi32, #tpu.memory_space<vmem>> -> memref<128xi32, #tpu.memory_space<vmem>>
          %dma_start3A_75 = arith.constant 0 : i32
          %dma_start3A_76 = arith.constant 0 : i32
          %dma_start3A_77 = tpu.memref_slice %arg11[%dma_start3A_75, %dma_start3A_76] : memref<10112x128xf32, #tpu.memory_space<vmem_shared>> -> memref<10112x128xf32, #tpu.memory_space<vmem_shared>>
          tpu.enqueue_indirect_dma source(%arg10 : memref<128x128xf32, #tpu.memory_space<vmem>>) target(%dma_start3A_77 : memref<10112x128xf32, #tpu.memory_space<vmem_shared>>) offsets(%dma_start3A_74 : memref<128xi32, #tpu.memory_space<vmem>>) semaphore(%run_scoped3A : memref<!tpu.dma_semaphore, #tpu.memory_space<semaphore_mem>>) {add = true}
          %dma_wait3A_78 = arith.constant 0 : i32
          %dma_wait3A_79 = tpu.memref_slice %arg8[%add3A_71, %dma_wait3A_78] : memref<32x128xi32, #tpu.memory_space<vmem>> -> memref<1x128xi32, #tpu.memory_space<vmem>>
          %dma_wait3A_80 = tpu.memref_squeeze %dma_wait3A_79 : memref<1x128xi32, #tpu.memory_space<vmem>> -> memref<128xi32, #tpu.memory_space<vmem>>
          %dma_wait3A_81 = arith.constant 0 : i32
          %dma_wait3A_82 = arith.constant 0 : i32
          %dma_wait3A_83 = tpu.memref_slice %arg11[%dma_wait3A_81, %dma_wait3A_82] : memref<10112x128xf32, #tpu.memory_space<vmem_shared>> -> memref<10112x128xf32, #tpu.memory_space<vmem_shared>>
          tpu.wait_indirect_dma semaphore(%run_scoped3A : memref<!tpu.dma_semaphore, #tpu.memory_space<semaphore_mem>>) src(%arg10 : memref<128x128xf32, #tpu.memory_space<vmem>>) dst(%dma_wait3A_83 : memref<10112x128xf32, #tpu.memory_space<vmem_shared>>)
          tpu.yield
        }) : () -> ()
      }
      %scan3A_41 = arith.constant 16 : i32
    }
    %while3A_21 = arith.constant 1 : i32
    scf.for %while3A_27 = %while3A_19 to %while3A_15 step %while3A_21  : i32 {
      %mul3A_28 = arith.constant 32 : i32
      %mul3A_29 = arith.muli %while3A_27, %mul3A_28 : i32
      %add3A_30 = arith.addi %select_n3A, %mul3A_29 : i32
      "tpu.region"() ({
        %run_scoped3A = tpu.sem_alloc : memref<!tpu.dma_semaphore, #tpu.memory_space<semaphore_mem>>
        %dma_start3A_42 = arith.constant 0 : i32
        %dma_start3A_43 = tpu.memref_slice %arg3[%add3A_30, %dma_start3A_42] : memref<2560x128xi32, #tpu.memory_space<hbm>> -> memref<32x128xi32, #tpu.memory_space<hbm>>
        %dma_start3A_44 = arith.constant 0 : i32
        %dma_start3A_45 = tpu.memref_slice %arg3[%add3A_30, %dma_start3A_44] : memref<2560x128xi32, #tpu.memory_space<hbm>> -> memref<32x128xi32, #tpu.memory_space<hbm>>
        tpu.enqueue_dma source(%dma_start3A_45 : memref<32x128xi32, #tpu.memory_space<hbm>>) target(%arg7 : memref<32x128xi32, #tpu.memory_space<vmem>>) target_semaphore(%run_scoped3A : memref<!tpu.dma_semaphore, #tpu.memory_space<semaphore_mem>>)
        %dma_wait3A = arith.constant 0 : i32
        %dma_wait3A_46 = tpu.memref_slice %arg3[%add3A_30, %dma_wait3A] : memref<2560x128xi32, #tpu.memory_space<hbm>> -> memref<32x128xi32, #tpu.memory_space<hbm>>
        %dma_wait3A_47 = arith.constant 0 : i32
        %dma_wait3A_48 = tpu.memref_slice %arg3[%add3A_30, %dma_wait3A_47] : memref<2560x128xi32, #tpu.memory_space<hbm>> -> memref<32x128xi32, #tpu.memory_space<hbm>>
        tpu.wait_dma2 semaphore(%run_scoped3A : memref<!tpu.dma_semaphore, #tpu.memory_space<semaphore_mem>>) src(%dma_wait3A_48 : memref<32x128xi32, #tpu.memory_space<hbm>>) dst(%arg7 : memref<32x128xi32, #tpu.memory_space<vmem>>)
        tpu.yield
      }) : () -> ()
      "tpu.region"() ({
        %run_scoped3A = tpu.sem_alloc : memref<!tpu.dma_semaphore, #tpu.memory_space<semaphore_mem>>
        %dma_start3A_42 = arith.constant 0 : i32
        %dma_start3A_43 = tpu.memref_slice %arg4[%add3A_30, %dma_start3A_42] : memref<2560x128xi32, #tpu.memory_space<hbm>> -> memref<32x128xi32, #tpu.memory_space<hbm>>
        %dma_start3A_44 = arith.constant 0 : i32
        %dma_start3A_45 = tpu.memref_slice %arg4[%add3A_30, %dma_start3A_44] : memref<2560x128xi32, #tpu.memory_space<hbm>> -> memref<32x128xi32, #tpu.memory_space<hbm>>
        tpu.enqueue_dma source(%dma_start3A_45 : memref<32x128xi32, #tpu.memory_space<hbm>>) target(%arg8 : memref<32x128xi32, #tpu.memory_space<vmem>>) target_semaphore(%run_scoped3A : memref<!tpu.dma_semaphore, #tpu.memory_space<semaphore_mem>>)
        %dma_wait3A = arith.constant 0 : i32
        %dma_wait3A_46 = tpu.memref_slice %arg4[%add3A_30, %dma_wait3A] : memref<2560x128xi32, #tpu.memory_space<hbm>> -> memref<32x128xi32, #tpu.memory_space<hbm>>
        %dma_wait3A_47 = arith.constant 0 : i32
        %dma_wait3A_48 = tpu.memref_slice %arg4[%add3A_30, %dma_wait3A_47] : memref<2560x128xi32, #tpu.memory_space<hbm>> -> memref<32x128xi32, #tpu.memory_space<hbm>>
        tpu.wait_dma2 semaphore(%run_scoped3A : memref<!tpu.dma_semaphore, #tpu.memory_space<semaphore_mem>>) src(%dma_wait3A_48 : memref<32x128xi32, #tpu.memory_space<hbm>>) dst(%arg8 : memref<32x128xi32, #tpu.memory_space<vmem>>)
        tpu.yield
      }) : () -> ()
      %dma_start3A = arith.constant 0 : i32
      %dma_start3A_31 = arith.constant 0 : i32
      %dma_start3A_32 = tpu.memref_slice %arg7[%dma_start3A, %dma_start3A_31] : memref<32x128xi32, #tpu.memory_space<vmem>> -> memref<1x128xi32, #tpu.memory_space<vmem>>
      %dma_start3A_33 = tpu.memref_squeeze %dma_start3A_32 : memref<1x128xi32, #tpu.memory_space<vmem>> -> memref<128xi32, #tpu.memory_space<vmem>>
      %dma_start3A_34 = arith.constant 0 : i32
      %dma_start3A_35 = arith.constant 0 : i32
      %dma_start3A_36 = tpu.memref_slice %arg2[%dma_start3A_34, %dma_start3A_35] : memref<10000x128xf32, #tpu.memory_space<hbm>> -> memref<10000x128xf32, #tpu.memory_space<hbm>>
      tpu.enqueue_indirect_dma source(%dma_start3A_36 : memref<10000x128xf32, #tpu.memory_space<hbm>>) target(%arg9 : memref<128x128xf32, #tpu.memory_space<vmem>>) offsets(%dma_start3A_33 : memref<128xi32, #tpu.memory_space<vmem>>) semaphore(%arg12 : memref<!tpu.dma_semaphore, #tpu.memory_space<semaphore_mem>>)
      %scan3A = arith.constant 0 : i32
      %scan3A_37 = arith.constant 0 : i32
      %scan3A_38 = arith.constant 16 : i32
      %scan3A_39 = arith.addi %scan3A_37, %scan3A_38 : i32
      %scan3A_40 = arith.constant 1 : i32
      scf.for %scan3A_42 = %scan3A_37 to %scan3A_39 step %scan3A_40  : i32 {
        %mul3A_43 = arith.constant 2 : i32
        %mul3A_44 = arith.muli %mul3A_43, %scan3A_42 : i32
        %add3A_45 = arith.constant 1 : i32
        %add3A_46 = arith.addi %mul3A_44, %add3A_45 : i32
        %dma_start3A_47 = arith.constant 0 : i32
        %dma_start3A_48 = tpu.memref_slice %arg7[%add3A_46, %dma_start3A_47] : memref<32x128xi32, #tpu.memory_space<vmem>> -> memref<1x128xi32, #tpu.memory_space<vmem>>
        %dma_start3A_49 = tpu.memref_squeeze %dma_start3A_48 : memref<1x128xi32, #tpu.memory_space<vmem>> -> memref<128xi32, #tpu.memory_space<vmem>>
        %dma_start3A_50 = arith.constant 0 : i32
        %dma_start3A_51 = arith.constant 0 : i32
        %dma_start3A_52 = tpu.memref_slice %arg2[%dma_start3A_50, %dma_start3A_51] : memref<10000x128xf32, #tpu.memory_space<hbm>> -> memref<10000x128xf32, #tpu.memory_space<hbm>>
        tpu.enqueue_indirect_dma source(%dma_start3A_52 : memref<10000x128xf32, #tpu.memory_space<hbm>>) target(%arg10 : memref<128x128xf32, #tpu.memory_space<vmem>>) offsets(%dma_start3A_49 : memref<128xi32, #tpu.memory_space<vmem>>) semaphore(%arg13 : memref<!tpu.dma_semaphore, #tpu.memory_space<semaphore_mem>>)
        %dma_wait3A = arith.constant 0 : i32
        %dma_wait3A_53 = tpu.memref_slice %arg7[%mul3A_44, %dma_wait3A] : memref<32x128xi32, #tpu.memory_space<vmem>> -> memref<1x128xi32, #tpu.memory_space<vmem>>
        %dma_wait3A_54 = tpu.memref_squeeze %dma_wait3A_53 : memref<1x128xi32, #tpu.memory_space<vmem>> -> memref<128xi32, #tpu.memory_space<vmem>>
        %dma_wait3A_55 = arith.constant 0 : i32
        %dma_wait3A_56 = arith.constant 0 : i32
        %dma_wait3A_57 = tpu.memref_slice %arg2[%dma_wait3A_55, %dma_wait3A_56] : memref<10000x128xf32, #tpu.memory_space<hbm>> -> memref<10000x128xf32, #tpu.memory_space<hbm>>
        tpu.wait_indirect_dma semaphore(%arg12 : memref<!tpu.dma_semaphore, #tpu.memory_space<semaphore_mem>>) src(%dma_wait3A_57 : memref<10000x128xf32, #tpu.memory_space<hbm>>) dst(%arg9 : memref<128x128xf32, #tpu.memory_space<vmem>>)
        "tpu.region"() ({
          %run_scoped3A = tpu.sem_alloc : memref<!tpu.dma_semaphore, #tpu.memory_space<semaphore_mem>>
          %dma_start3A_72 = arith.constant 0 : i32
          %dma_start3A_73 = tpu.memref_slice %arg8[%mul3A_44, %dma_start3A_72] : memref<32x128xi32, #tpu.memory_space<vmem>> -> memref<1x128xi32, #tpu.memory_space<vmem>>
          %dma_start3A_74 = tpu.memref_squeeze %dma_start3A_73 : memref<1x128xi32, #tpu.memory_space<vmem>> -> memref<128xi32, #tpu.memory_space<vmem>>
          %dma_start3A_75 = arith.constant 0 : i32
          %dma_start3A_76 = arith.constant 0 : i32
          %dma_start3A_77 = tpu.memref_slice %arg11[%dma_start3A_75, %dma_start3A_76] : memref<10112x128xf32, #tpu.memory_space<vmem_shared>> -> memref<10112x128xf32, #tpu.memory_space<vmem_shared>>
          tpu.enqueue_indirect_dma source(%arg9 : memref<128x128xf32, #tpu.memory_space<vmem>>) target(%dma_start3A_77 : memref<10112x128xf32, #tpu.memory_space<vmem_shared>>) offsets(%dma_start3A_74 : memref<128xi32, #tpu.memory_space<vmem>>) semaphore(%run_scoped3A : memref<!tpu.dma_semaphore, #tpu.memory_space<semaphore_mem>>) {add = true}
          %dma_wait3A_78 = arith.constant 0 : i32
          %dma_wait3A_79 = tpu.memref_slice %arg8[%mul3A_44, %dma_wait3A_78] : memref<32x128xi32, #tpu.memory_space<vmem>> -> memref<1x128xi32, #tpu.memory_space<vmem>>
          %dma_wait3A_80 = tpu.memref_squeeze %dma_wait3A_79 : memref<1x128xi32, #tpu.memory_space<vmem>> -> memref<128xi32, #tpu.memory_space<vmem>>
          %dma_wait3A_81 = arith.constant 0 : i32
          %dma_wait3A_82 = arith.constant 0 : i32
          %dma_wait3A_83 = tpu.memref_slice %arg11[%dma_wait3A_81, %dma_wait3A_82] : memref<10112x128xf32, #tpu.memory_space<vmem_shared>> -> memref<10112x128xf32, #tpu.memory_space<vmem_shared>>
          tpu.wait_indirect_dma semaphore(%run_scoped3A : memref<!tpu.dma_semaphore, #tpu.memory_space<semaphore_mem>>) src(%arg9 : memref<128x128xf32, #tpu.memory_space<vmem>>) dst(%dma_wait3A_83 : memref<10112x128xf32, #tpu.memory_space<vmem_shared>>)
          tpu.yield
        }) : () -> ()
        %add3A_58 = arith.constant 2 : i32
        %add3A_59 = arith.addi %mul3A_44, %add3A_58 : i32
        %lt3A = arith.constant 32 : i32
        %lt3A_60 = arith.cmpi slt, %add3A_59, %lt3A : i32
        %convert_element_type3A = arith.extui %lt3A_60 : i1 to i32
        %cond3A = arith.constant 0 : i32
        %cond3A_61 = arith.cmpi ne, %convert_element_type3A, %cond3A : i32
        scf.if %cond3A_61 {
          %add3A_72 = arith.constant 2 : i32
          %add3A_73 = arith.addi %mul3A_44, %add3A_72 : i32
          %dma_start3A_74 = arith.constant 0 : i32
          %dma_start3A_75 = tpu.memref_slice %arg7[%add3A_73, %dma_start3A_74] : memref<32x128xi32, #tpu.memory_space<vmem>> -> memref<1x128xi32, #tpu.memory_space<vmem>>
          %dma_start3A_76 = tpu.memref_squeeze %dma_start3A_75 : memref<1x128xi32, #tpu.memory_space<vmem>> -> memref<128xi32, #tpu.memory_space<vmem>>
          %dma_start3A_77 = arith.constant 0 : i32
          %dma_start3A_78 = arith.constant 0 : i32
          %dma_start3A_79 = tpu.memref_slice %arg2[%dma_start3A_77, %dma_start3A_78] : memref<10000x128xf32, #tpu.memory_space<hbm>> -> memref<10000x128xf32, #tpu.memory_space<hbm>>
          tpu.enqueue_indirect_dma source(%dma_start3A_79 : memref<10000x128xf32, #tpu.memory_space<hbm>>) target(%arg9 : memref<128x128xf32, #tpu.memory_space<vmem>>) offsets(%dma_start3A_76 : memref<128xi32, #tpu.memory_space<vmem>>) semaphore(%arg12 : memref<!tpu.dma_semaphore, #tpu.memory_space<semaphore_mem>>)
        } else {
        }
        %add3A_62 = arith.constant 1 : i32
        %add3A_63 = arith.addi %mul3A_44, %add3A_62 : i32
        %dma_wait3A_64 = arith.constant 0 : i32
        %dma_wait3A_65 = tpu.memref_slice %arg7[%add3A_63, %dma_wait3A_64] : memref<32x128xi32, #tpu.memory_space<vmem>> -> memref<1x128xi32, #tpu.memory_space<vmem>>
        %dma_wait3A_66 = tpu.memref_squeeze %dma_wait3A_65 : memref<1x128xi32, #tpu.memory_space<vmem>> -> memref<128xi32, #tpu.memory_space<vmem>>
        %dma_wait3A_67 = arith.constant 0 : i32
        %dma_wait3A_68 = arith.constant 0 : i32
        %dma_wait3A_69 = tpu.memref_slice %arg2[%dma_wait3A_67, %dma_wait3A_68] : memref<10000x128xf32, #tpu.memory_space<hbm>> -> memref<10000x128xf32, #tpu.memory_space<hbm>>
        tpu.wait_indirect_dma semaphore(%arg13 : memref<!tpu.dma_semaphore, #tpu.memory_space<semaphore_mem>>) src(%dma_wait3A_69 : memref<10000x128xf32, #tpu.memory_space<hbm>>) dst(%arg10 : memref<128x128xf32, #tpu.memory_space<vmem>>)
        %add3A_70 = arith.constant 1 : i32
        %add3A_71 = arith.addi %mul3A_44, %add3A_70 : i32
        "tpu.region"() ({
          %run_scoped3A = tpu.sem_alloc : memref<!tpu.dma_semaphore, #tpu.memory_space<semaphore_mem>>
          %dma_start3A_72 = arith.constant 0 : i32
          %dma_start3A_73 = tpu.memref_slice %arg8[%add3A_71, %dma_start3A_72] : memref<32x128xi32, #tpu.memory_space<vmem>> -> memref<1x128xi32, #tpu.memory_space<vmem>>
          %dma_start3A_74 = tpu.memref_squeeze %dma_start3A_73 : memref<1x128xi32, #tpu.memory_space<vmem>> -> memref<128xi32, #tpu.memory_space<vmem>>
          %dma_start3A_75 = arith.constant 0 : i32
          %dma_start3A_76 = arith.constant 0 : i32
          %dma_start3A_77 = tpu.memref_slice %arg11[%dma_start3A_75, %dma_start3A_76] : memref<10112x128xf32, #tpu.memory_space<vmem_shared>> -> memref<10112x128xf32, #tpu.memory_space<vmem_shared>>
          tpu.enqueue_indirect_dma source(%arg10 : memref<128x128xf32, #tpu.memory_space<vmem>>) target(%dma_start3A_77 : memref<10112x128xf32, #tpu.memory_space<vmem_shared>>) offsets(%dma_start3A_74 : memref<128xi32, #tpu.memory_space<vmem>>) semaphore(%run_scoped3A : memref<!tpu.dma_semaphore, #tpu.memory_space<semaphore_mem>>) {add = true}
          %dma_wait3A_78 = arith.constant 0 : i32
          %dma_wait3A_79 = tpu.memref_slice %arg8[%add3A_71, %dma_wait3A_78] : memref<32x128xi32, #tpu.memory_space<vmem>> -> memref<1x128xi32, #tpu.memory_space<vmem>>
          %dma_wait3A_80 = tpu.memref_squeeze %dma_wait3A_79 : memref<1x128xi32, #tpu.memory_space<vmem>> -> memref<128xi32, #tpu.memory_space<vmem>>
          %dma_wait3A_81 = arith.constant 0 : i32
          %dma_wait3A_82 = arith.constant 0 : i32
          %dma_wait3A_83 = tpu.memref_slice %arg11[%dma_wait3A_81, %dma_wait3A_82] : memref<10112x128xf32, #tpu.memory_space<vmem_shared>> -> memref<10112x128xf32, #tpu.memory_space<vmem_shared>>
          tpu.wait_indirect_dma semaphore(%run_scoped3A : memref<!tpu.dma_semaphore, #tpu.memory_space<semaphore_mem>>) src(%arg10 : memref<128x128xf32, #tpu.memory_space<vmem>>) dst(%dma_wait3A_83 : memref<10112x128xf32, #tpu.memory_space<vmem_shared>>)
          tpu.yield
        }) : () -> ()
      }
      %scan3A_41 = arith.constant 16 : i32
    }
    %barrier3A_22 = arith.constant 0 : index
    tpu.barrier barrier_id(%barrier3A_22)
    %mul3A_23 = arith.constant 632 : i32
    %mul3A_24 = arith.muli %arg1, %mul3A_23 : i32
    %mul3A_25 = arith.constant 632 : i32
    %mul3A_26 = arith.muli %arg1, %mul3A_25 : i32
    "tpu.region"() ({
      %run_scoped3A = tpu.sem_alloc : memref<!tpu.dma_semaphore, #tpu.memory_space<semaphore_mem>>
      %dma_start3A = arith.constant 0 : i32
      %dma_start3A_27 = tpu.memref_slice %arg6[%arg0, %mul3A_26, %dma_start3A] : memref<2x10112x128xf32, #tpu.memory_space<hbm>> -> memref<1x632x128xf32, #tpu.memory_space<hbm>>
      %dma_start3A_28 = tpu.memref_squeeze %dma_start3A_27 : memref<1x632x128xf32, #tpu.memory_space<hbm>> -> memref<632x128xf32, #tpu.memory_space<hbm>>
      %dma_start3A_29 = arith.constant 0 : i32
      %dma_start3A_30 = tpu.memref_slice %arg11[%mul3A_24, %dma_start3A_29] : memref<10112x128xf32, #tpu.memory_space<vmem_shared>> -> memref<632x128xf32, #tpu.memory_space<vmem_shared>>
      tpu.enqueue_dma source(%dma_start3A_30 : memref<632x128xf32, #tpu.memory_space<vmem_shared>>) target(%dma_start3A_28 : memref<632x128xf32, #tpu.memory_space<hbm>>) target_semaphore(%run_scoped3A : memref<!tpu.dma_semaphore, #tpu.memory_space<semaphore_mem>>)
      %dma_wait3A = arith.constant 0 : i32
      %dma_wait3A_31 = tpu.memref_slice %arg6[%arg0, %mul3A_26, %dma_wait3A] : memref<2x10112x128xf32, #tpu.memory_space<hbm>> -> memref<1x632x128xf32, #tpu.memory_space<hbm>>
      %dma_wait3A_32 = tpu.memref_squeeze %dma_wait3A_31 : memref<1x632x128xf32, #tpu.memory_space<hbm>> -> memref<632x128xf32, #tpu.memory_space<hbm>>
      %dma_wait3A_33 = arith.constant 0 : i32
      %dma_wait3A_34 = tpu.memref_slice %arg11[%mul3A_24, %dma_wait3A_33] : memref<10112x128xf32, #tpu.memory_space<vmem_shared>> -> memref<632x128xf32, #tpu.memory_space<vmem_shared>>
      tpu.wait_dma2 semaphore(%run_scoped3A : memref<!tpu.dma_semaphore, #tpu.memory_space<semaphore_mem>>) src(%dma_wait3A_34 : memref<632x128xf32, #tpu.memory_space<vmem_shared>>) dst(%dma_wait3A_32 : memref<632x128xf32, #tpu.memory_space<hbm>>)
      tpu.yield
    }) : () -> ()
    return
  }
}

module attributes {stable_mosaic.version = 14 : i64} {
  func.func @_pre_body(%arg0: i32, %arg1: memref<1000x128xf32, #tpu.memory_space<vmem>>, %arg2: memref<128x128xf32, #tpu.memory_space<vmem>>, %arg3: memref<1x128xf32, #tpu.memory_space<vmem>>, %arg4: memref<128x128xf32, #tpu.memory_space<vmem>>, %arg5: memref<1x128xf32, #tpu.memory_space<vmem>>, %arg6: memref<1000x128xf32, #tpu.memory_space<vmem>>, %arg7: memref<1000x128xf32, #tpu.memory_space<vmem>>) attributes {dimension_semantics = [#tpu.dimension_semantics<arbitrary>], iteration_bounds = array<i64: 10>, scalar_prefetch = 0 : i64, scratch_operands = 0 : i64, tpu.core_type = #tpu.core_type<tc>, window_params = [{transform_indices = @transform_0, window_bounds = array<i64: 1000, 128>}, {pipeline_mode = #tpu.pipeline_mode<synchronous>, transform_indices = @transform_1, window_bounds = array<i64: 128, 128>}, {pipeline_mode = #tpu.pipeline_mode<synchronous>, transform_indices = @transform_2, window_bounds = array<i64: 1, 128>}, {pipeline_mode = #tpu.pipeline_mode<synchronous>, transform_indices = @transform_3, window_bounds = array<i64: 128, 128>}, {pipeline_mode = #tpu.pipeline_mode<synchronous>, transform_indices = @transform_4, window_bounds = array<i64: 1, 128>}, {transform_indices = @transform_5, window_bounds = array<i64: 1000, 128>}, {transform_indices = @transform_6, window_bounds = array<i64: 1000, 128>}]} {
    %get3A = arith.constant 0 : index
    %get3A_0 = arith.constant 0 : index
    %get3A_1 = vector.load %arg1[%get3A, %get3A_0] : memref<1000x128xf32, #tpu.memory_space<vmem>>, vector<1000x128xf32>
    %get3A_2 = arith.constant 0 : index
    %get3A_3 = arith.constant 0 : index
    %get3A_4 = vector.load %arg2[%get3A_2, %get3A_3] : memref<128x128xf32, #tpu.memory_space<vmem>>, vector<128x128xf32>
    %dot_general3A = arith.constant dense<0.000000e+00> : vector<1000x128xf32>
    %dot_general3A_5 = tpu.matmul %get3A_1, %get3A_4, %dot_general3A {dimension_numbers = #tpu.dot_dimension_numbers<[1], [0], [0], [1], [0, 0, 1, 1], [], []>, transpose_lhs_hint = false} : vector<1000x128xf32>, vector<128x128xf32>, vector<1000x128xf32> -> vector<1000x128xf32>
    %get3A_6 = arith.constant 0 : index
    %get3A_7 = arith.constant 0 : index
    %get3A_8 = vector.load %arg3[%get3A_6, %get3A_7] : memref<1x128xf32, #tpu.memory_space<vmem>>, vector<1x128xf32>
    %add3A = vector.broadcast %get3A_8 : vector<1x128xf32> to vector<1000x128xf32>
    %add3A_9 = arith.addf %dot_general3A_5, %add3A : vector<1000x128xf32>
    %swap3A = arith.constant 0 : index
    %swap3A_10 = arith.constant 0 : index
    %swap3A_11 = vector.load %arg6[%swap3A, %swap3A_10] : memref<1000x128xf32, #tpu.memory_space<vmem>>, vector<1000x128xf32>
    tpu.vector_store %arg6[%swap3A, %swap3A_10], %add3A_9 {strides = array<i32>} : memref<1000x128xf32, #tpu.memory_space<vmem>>, vector<1000x128xf32>,
    %get3A_12 = arith.constant 0 : index
    %get3A_13 = arith.constant 0 : index
    %get3A_14 = vector.load %arg4[%get3A_12, %get3A_13] : memref<128x128xf32, #tpu.memory_space<vmem>>, vector<128x128xf32>
    %dot_general3A_15 = arith.constant dense<0.000000e+00> : vector<1000x128xf32>
    %dot_general3A_16 = tpu.matmul %get3A_1, %get3A_14, %dot_general3A_15 {dimension_numbers = #tpu.dot_dimension_numbers<[1], [0], [0], [1], [0, 0, 1, 1], [], []>, transpose_lhs_hint = false} : vector<1000x128xf32>, vector<128x128xf32>, vector<1000x128xf32> -> vector<1000x128xf32>
    %get3A_17 = arith.constant 0 : index
    %get3A_18 = arith.constant 0 : index
    %get3A_19 = vector.load %arg5[%get3A_17, %get3A_18] : memref<1x128xf32, #tpu.memory_space<vmem>>, vector<1x128xf32>
    %add3A_20 = vector.broadcast %get3A_19 : vector<1x128xf32> to vector<1000x128xf32>
    %add3A_21 = arith.addf %dot_general3A_16, %add3A_20 : vector<1000x128xf32>
    %swap3A_22 = arith.constant 0 : index
    %swap3A_23 = arith.constant 0 : index
    %swap3A_24 = vector.load %arg7[%swap3A_22, %swap3A_23] : memref<1000x128xf32, #tpu.memory_space<vmem>>, vector<1000x128xf32>
    tpu.vector_store %arg7[%swap3A_22, %swap3A_23], %add3A_21 {strides = array<i32>} : memref<1000x128xf32, #tpu.memory_space<vmem>>, vector<1000x128xf32>,
    return
  }
  func.func @transform_0(%arg0: i32) -> (i32, i32) {
    %c0_i32 = arith.constant 0 : i32
    %c0_i32_0 = arith.constant 0 : i32
    return %arg0, %c0_i32 : i32, i32
  }
  func.func @transform_1(%arg0: i32) -> (i32, i32) {
    %c0_i32 = arith.constant 0 : i32
    %c0_i32_0 = arith.constant 0 : i32
    %c0_i32_1 = arith.constant 0 : i32
    return %c0_i32, %c0_i32_0 : i32, i32
  }
  func.func @transform_2(%arg0: i32) -> (i32, i32) {
    %c0_i32 = arith.constant 0 : i32
    %c0_i32_0 = arith.constant 0 : i32
    %c0_i32_1 = arith.constant 0 : i32
    return %c0_i32, %c0_i32_0 : i32, i32
  }
  func.func @transform_3(%arg0: i32) -> (i32, i32) {
    %c0_i32 = arith.constant 0 : i32
    %c0_i32_0 = arith.constant 0 : i32
    %c0_i32_1 = arith.constant 0 : i32
    return %c0_i32, %c0_i32_0 : i32, i32
  }
  func.func @transform_4(%arg0: i32) -> (i32, i32) {
    %c0_i32 = arith.constant 0 : i32
    %c0_i32_0 = arith.constant 0 : i32
    %c0_i32_1 = arith.constant 0 : i32
    return %c0_i32, %c0_i32_0 : i32, i32
  }
  func.func @transform_5(%arg0: i32) -> (i32, i32) {
    %c0_i32 = arith.constant 0 : i32
    %c0_i32_0 = arith.constant 0 : i32
    return %arg0, %c0_i32 : i32, i32
  }
  func.func @transform_6(%arg0: i32) -> (i32, i32) {
    %c0_i32 = arith.constant 0 : i32
    %c0_i32_0 = arith.constant 0 : i32
    return %arg0, %c0_i32 : i32, i32
  }
}

module attributes {stable_mosaic.version = 14 : i64} {
  func.func @_head_body(%arg0: memref<10000x128xf32, #tpu.memory_space<vmem>>, %arg1: memref<2x10112x128xf32, #tpu.memory_space<vmem>>, %arg2: memref<10000x1xi32, #tpu.memory_space<vmem>>, %arg3: memref<64x128xf32, #tpu.memory_space<vmem>>, %arg4: memref<256x256xf32, #tpu.memory_space<vmem>>, %arg5: memref<1x256xf32, #tpu.memory_space<vmem>>, %arg6: memref<128x128xf32, #tpu.memory_space<vmem>>, %arg7: memref<1x128xf32, #tpu.memory_space<vmem>>, %arg8: memref<384x384xf32, #tpu.memory_space<vmem>>, %arg9: memref<1x384xf32, #tpu.memory_space<vmem>>, %arg10: memref<64x384xf32, #tpu.memory_space<vmem>>) attributes {dimension_semantics = [], scalar_prefetch = 0 : i64, scratch_operands = 0 : i64, tpu.core_type = #tpu.core_type<tc>} {
    %get3A = arith.constant 0 : index
    %get3A_0 = arith.constant 0 : index
    %get3A_1 = arith.constant 0 : index
    %get3A_2 = vector.load %arg1[%get3A, %get3A_0, %get3A_1] : memref<2x10112x128xf32, #tpu.memory_space<vmem>>, vector<1x10000x128xf32>
    %get3A_3 = vector.shape_cast %get3A_2 : vector<1x10000x128xf32> to vector<10000x128xf32>
    %get3A_4 = arith.constant 1 : index
    %get3A_5 = arith.constant 0 : index
    %get3A_6 = arith.constant 0 : index
    %get3A_7 = vector.load %arg1[%get3A_4, %get3A_5, %get3A_6] : memref<2x10112x128xf32, #tpu.memory_space<vmem>>, vector<1x10000x128xf32>
    %get3A_8 = vector.shape_cast %get3A_7 : vector<1x10000x128xf32> to vector<10000x128xf32>
    %add3A = arith.addf %get3A_3, %get3A_8 : vector<10000x128xf32>
    %get3A_9 = arith.constant 0 : index
    %get3A_10 = arith.constant 0 : index
    %get3A_11 = vector.load %arg0[%get3A_9, %get3A_10] : memref<10000x128xf32, #tpu.memory_space<vmem>>, vector<10000x128xf32>
    %add3A_12 = arith.addf %get3A_11, %add3A : vector<10000x128xf32>
    %max3A = arith.constant 0.000000e+00 : f32
    %max3A_13 = vector.broadcast %max3A : f32 to vector<10000x128xf32>
    %max3A_14 = arith.maximumf %add3A_12, %max3A_13 : vector<10000x128xf32>
    %get3A_15 = arith.constant 0 : index
    %get3A_16 = arith.constant 0 : index
    %get3A_17 = vector.load %arg2[%get3A_15, %get3A_16] : memref<10000x1xi32, #tpu.memory_space<vmem>>, vector<10000x1xi32>
    %iota3A = tpu.iota {dimensions = array<i32: 0>} : vector<64x10000xi32>
    %reshape3A = vector.shape_cast %get3A_17 : vector<10000x1xi32> to vector<1x10000xi32>
    %eq3A = vector.broadcast %reshape3A : vector<1x10000xi32> to vector<64x10000xi32>
    %eq3A_18 = arith.cmpi eq, %iota3A, %eq3A : vector<64x10000xi32>
    %convert_element_type3A = arith.extui %eq3A_18 : vector<64x10000xi1> to vector<64x10000xi32>
    %convert_element_type3A_19 = arith.sitofp %convert_element_type3A : vector<64x10000xi32> to vector<64x10000xf32>
    %dot_general3A = arith.constant dense<0.000000e+00> : vector<64x128xf32>
    %dot_general3A_20 = tpu.matmul %convert_element_type3A_19, %max3A_14, %dot_general3A {dimension_numbers = #tpu.dot_dimension_numbers<[1], [0], [0], [1], [0, 0, 1, 1], [], []>, transpose_lhs_hint = false} : vector<64x10000xf32>, vector<10000x128xf32>, vector<64x128xf32> -> vector<64x128xf32>
    %reduce_sum3A = arith.constant dense<0.000000e+00> : vector<64xf32>
    %reduce_sum3A_21 = vector.multi_reduction <add>, %convert_element_type3A_19, %reduce_sum3A [1] : vector<64x10000xf32> to vector<64xf32>
    %broadcast_in_dim3A = vector.shape_cast %reduce_sum3A_21 : vector<64xf32> to vector<64x1xf32>
    %max3A_22 = arith.constant 1.000000e+00 : f32
    %max3A_23 = vector.broadcast %max3A_22 : f32 to vector<64x1xf32>
    %max3A_24 = arith.maximumf %broadcast_in_dim3A, %max3A_23 : vector<64x1xf32>
    %div3A = vector.broadcast %max3A_24 : vector<64x1xf32> to vector<64x128xf32>
    %div3A_25 = arith.divf %dot_general3A_20, %div3A : vector<64x128xf32>
    %get3A_26 = arith.constant 0 : index
    %get3A_27 = arith.constant 0 : index
    %get3A_28 = vector.load %arg3[%get3A_26, %get3A_27] : memref<64x128xf32, #tpu.memory_space<vmem>>, vector<64x128xf32>
    %get3A_29 = arith.constant 0 : index
    %get3A_30 = arith.constant 0 : index
    %get3A_31 = vector.load %arg4[%get3A_29, %get3A_30] : memref<256x256xf32, #tpu.memory_space<vmem>>, vector<128x256xf32>
    %dot_general3A_32 = arith.constant dense<0.000000e+00> : vector<64x256xf32>
    %dot_general3A_33 = tpu.matmul %get3A_28, %get3A_31, %dot_general3A_32 {dimension_numbers = #tpu.dot_dimension_numbers<[1], [0], [0], [1], [0, 0, 1, 1], [], []>, transpose_lhs_hint = false} : vector<64x128xf32>, vector<128x256xf32>, vector<64x256xf32> -> vector<64x256xf32>
    %get3A_34 = arith.constant 128 : index
    %get3A_35 = arith.constant 0 : index
    %get3A_36 = vector.load %arg4[%get3A_34, %get3A_35] : memref<256x256xf32, #tpu.memory_space<vmem>>, vector<128x256xf32>
    %dot_general3A_37 = arith.constant dense<0.000000e+00> : vector<64x256xf32>
    %dot_general3A_38 = tpu.matmul %div3A_25, %get3A_36, %dot_general3A_37 {dimension_numbers = #tpu.dot_dimension_numbers<[1], [0], [0], [1], [0, 0, 1, 1], [], []>, transpose_lhs_hint = false} : vector<64x128xf32>, vector<128x256xf32>, vector<64x256xf32> -> vector<64x256xf32>
    %add3A_39 = arith.addf %dot_general3A_33, %dot_general3A_38 : vector<64x256xf32>
    %get3A_40 = arith.constant 0 : index
    %get3A_41 = arith.constant 0 : index
    %get3A_42 = vector.load %arg5[%get3A_40, %get3A_41] : memref<1x256xf32, #tpu.memory_space<vmem>>, vector<1x256xf32>
    %add3A_43 = vector.broadcast %get3A_42 : vector<1x256xf32> to vector<64x256xf32>
    %add3A_44 = arith.addf %add3A_39, %add3A_43 : vector<64x256xf32>
    %ge3A = arith.constant 0.000000e+00 : f32
    %ge3A_45 = vector.broadcast %ge3A : f32 to vector<64x256xf32>
    %ge3A_46 = arith.cmpf oge, %add3A_44, %ge3A_45 : vector<64x256xf32>
    %mul3A = arith.constant 0.00999999977 : f32
    %mul3A_47 = vector.broadcast %mul3A : f32 to vector<64x256xf32>
    %mul3A_48 = arith.mulf %mul3A_47, %add3A_44 : vector<64x256xf32>
    %select_n3A = arith.select %ge3A_46, %add3A_44, %mul3A_48 : vector<64x256xi1>, vector<64x256xf32>
    %get3A_49 = arith.constant 0 : index
    %get3A_50 = arith.constant 0 : index
    %get3A_51 = vector.load %arg6[%get3A_49, %get3A_50] : memref<128x128xf32, #tpu.memory_space<vmem>>, vector<128x128xf32>
    %dot_general3A_52 = arith.constant dense<0.000000e+00> : vector<64x128xf32>
    %dot_general3A_53 = tpu.matmul %div3A_25, %get3A_51, %dot_general3A_52 {dimension_numbers = #tpu.dot_dimension_numbers<[1], [0], [0], [1], [0, 0, 1, 1], [], []>, transpose_lhs_hint = false} : vector<64x128xf32>, vector<128x128xf32>, vector<64x128xf32> -> vector<64x128xf32>
    %get3A_54 = arith.constant 0 : index
    %get3A_55 = arith.constant 0 : index
    %get3A_56 = vector.load %arg7[%get3A_54, %get3A_55] : memref<1x128xf32, #tpu.memory_space<vmem>>, vector<1x128xf32>
    %add3A_57 = vector.broadcast %get3A_56 : vector<1x128xf32> to vector<64x128xf32>
    %add3A_58 = arith.addf %dot_general3A_53, %add3A_57 : vector<64x128xf32>
    %ge3A_59 = arith.constant 0.000000e+00 : f32
    %ge3A_60 = vector.broadcast %ge3A_59 : f32 to vector<64x128xf32>
    %ge3A_61 = arith.cmpf oge, %add3A_58, %ge3A_60 : vector<64x128xf32>
    %mul3A_62 = arith.constant 0.00999999977 : f32
    %mul3A_63 = vector.broadcast %mul3A_62 : f32 to vector<64x128xf32>
    %mul3A_64 = arith.mulf %mul3A_63, %add3A_58 : vector<64x128xf32>
    %select_n3A_65 = arith.select %ge3A_61, %add3A_58, %mul3A_64 : vector<64x128xi1>, vector<64x128xf32>
    %get3A_66 = arith.constant 0 : index
    %get3A_67 = arith.constant 0 : index
    %get3A_68 = vector.load %arg8[%get3A_66, %get3A_67] : memref<384x384xf32, #tpu.memory_space<vmem>>, vector<256x384xf32>
    %dot_general3A_69 = arith.constant dense<0.000000e+00> : vector<64x384xf32>
    %dot_general3A_70 = tpu.matmul %select_n3A, %get3A_68, %dot_general3A_69 {dimension_numbers = #tpu.dot_dimension_numbers<[1], [0], [0], [1], [0, 0, 1, 1], [], []>, transpose_lhs_hint = false} : vector<64x256xf32>, vector<256x384xf32>, vector<64x384xf32> -> vector<64x384xf32>
    %get3A_71 = arith.constant 256 : index
    %get3A_72 = arith.constant 0 : index
    %get3A_73 = vector.load %arg8[%get3A_71, %get3A_72] : memref<384x384xf32, #tpu.memory_space<vmem>>, vector<128x384xf32>
    %dot_general3A_74 = arith.constant dense<0.000000e+00> : vector<64x384xf32>
    %dot_general3A_75 = tpu.matmul %select_n3A_65, %get3A_73, %dot_general3A_74 {dimension_numbers = #tpu.dot_dimension_numbers<[1], [0], [0], [1], [0, 0, 1, 1], [], []>, transpose_lhs_hint = false} : vector<64x128xf32>, vector<128x384xf32>, vector<64x384xf32> -> vector<64x384xf32>
    %add3A_76 = arith.addf %dot_general3A_70, %dot_general3A_75 : vector<64x384xf32>
    %get3A_77 = arith.constant 0 : index
    %get3A_78 = arith.constant 0 : index
    %get3A_79 = vector.load %arg9[%get3A_77, %get3A_78] : memref<1x384xf32, #tpu.memory_space<vmem>>, vector<1x384xf32>
    %add3A_80 = vector.broadcast %get3A_79 : vector<1x384xf32> to vector<64x384xf32>
    %add3A_81 = arith.addf %add3A_76, %add3A_80 : vector<64x384xf32>
    %ge3A_82 = arith.constant 0.000000e+00 : f32
    %ge3A_83 = vector.broadcast %ge3A_82 : f32 to vector<64x384xf32>
    %ge3A_84 = arith.cmpf oge, %add3A_81, %ge3A_83 : vector<64x384xf32>
    %mul3A_85 = arith.constant 0.00999999977 : f32
    %mul3A_86 = vector.broadcast %mul3A_85 : f32 to vector<64x384xf32>
    %mul3A_87 = arith.mulf %mul3A_86, %add3A_81 : vector<64x384xf32>
    %select_n3A_88 = arith.select %ge3A_84, %add3A_81, %mul3A_87 : vector<64x384xi1>, vector<64x384xf32>
    %neg3A = arith.constant 0.000000e+00 : f32
    %neg3A_89 = vector.broadcast %neg3A : f32 to vector<64x384xf32>
    %neg3A_90 = arith.subf %neg3A_89, %select_n3A_88 : vector<64x384xf32>
    %mul3A_91 = arith.constant 4.184000e+03 : f32
    %mul3A_92 = vector.broadcast %mul3A_91 : f32 to vector<64x384xf32>
    %mul3A_93 = arith.mulf %neg3A_90, %mul3A_92 : vector<64x384xf32>
    %div3A_94 = arith.constant 8.310000e+00 : f32
    %div3A_95 = vector.broadcast %div3A_94 : f32 to vector<64x384xf32>
    %div3A_96 = arith.divf %mul3A_93, %div3A_95 : vector<64x384xf32>
    %div3A_97 = arith.constant 3.530000e+02 : f32
    %div3A_98 = vector.broadcast %div3A_97 : f32 to vector<64x384xf32>
    %div3A_99 = arith.divf %div3A_96, %div3A_98 : vector<64x384xf32>
    %exp3A = math.exp %div3A_99 : vector<64x384xf32>
    %mul3A_100 = arith.constant 2.04314627E+12 : f32
    %mul3A_101 = vector.broadcast %mul3A_100 : f32 to vector<64x384xf32>
    %mul3A_102 = arith.mulf %mul3A_101, %exp3A : vector<64x384xf32>
    %swap3A = arith.constant 0 : index
    %swap3A_103 = arith.constant 0 : index
    %swap3A_104 = vector.load %arg10[%swap3A, %swap3A_103] : memref<64x384xf32, #tpu.memory_space<vmem>>, vector<64x384xf32>
    tpu.vector_store %arg10[%swap3A, %swap3A_103], %mul3A_102 {strides = array<i32>} : memref<64x384xf32, #tpu.memory_space<vmem>>, vector<64x384xf32>,
    return
  }
}

</mosaic_0001>

<sc_bundles>
// kernel: kernel.5.cloned.1.call-start
scs
__scs_entry_jumppad:
0x0: {  	(pc) =	sbr.rel $0x88, $3  }
0x1: {  	(tag) =	ssettag $0x0;
	lr =	simm.s32 $0x1  }
0x2: {  	[smem:$0x3F93] =	sst lr;
	_ =	strace $0xD0000000  }
0x3: {  	_ = 	snop  }
0x4: {  	_ = 	snop  }
0x5: {  	_ = 	snop  }
0x6: {  	_ = 	snop  }
0x7: {  	_ = 	snop  }
__scs_overlays_trampoline_lowered:
0x8: {  	[smem:$0x3FA2] =	sst s0  }
0x9: {  	[smem:$0x3FA3] =	sst s1  }
0xa: {  	[smem:$0x3FA4] =	sst s2  }
0xb: {  	[smem:$0x3FA5] =	sst s3  }
0xc: {  	[smem:$0x3FA6] =	sst s4  }
0xd: {  	[smem:$0x3FA7] =	sst s5  }
0xe: {  	[smem:$0x3FA8] =	sst s6  }
0xf: {  	[smem:$0x3FA9] =	sst s7  }
0x10: {  	[smem:$0x3FAA] =	sst s8  }
0x11: {  	[smem:$0x3FAB] =	sst s9;
	s0 =	simm.s32 @!p0 $0x0  }
0x12: {  	s1 =	sld [smem:$0x3F91];
	s0 =	simm.s32 @p0 $0x1  }
0x13: {  	[smem:$0x3FAC] =	sst s0;
	s0 =	simm.s32 @!p1 $0x0  }
0x14: {  	s2 =	sld [smem:$0x3F90];
	s0 =	simm.s32 @p1 $0x1  }
0x15: {  	[smem:$0x3FAD] =	sst s0;
	s0 =	simm.s32 @!p2 $0x0  }
0x16: {  	s3 =	sld [smem:$0x3FDB];
	s0 =	simm.s32 @p2 $0x1  }
0x17: {  	s4 =	simm.s32 $0x1BF5;
	[smem:$0x3FAF] =	sst s0  }
0x18: {  	s0 =	sld [smem:$0x3F92];
	_ =	swait.ge [sflag:s4], $0x0  }
0x19: {  	s7 =	sld [smem:$0x3F93]  }
0x1a: {  	s8 =	sadd.s32 $0xFFFFE003, lr  }
0x1b: {  	s9 =	sadd.s32 $0xFFFFFEF7, lr;
	s5 =	simm.s32 $0xFFFFFFFF;
	p2 =	slt.u32 s8, $0xFFFFF086  }
0x1c: {  	p1 =	slt.u32 s9, $0xF7A;
	s5 =	simm.s32 @!p2 $0x0  }
0x1d: {  	s5 =	simm.s32 @p1 $0x1;
	p0 =	seq.s32 s7, s2  }
0x1e: {  	s7 =	smul.u32 @!p0 $0xF7A, s2;
	p2 =	seq.s32 @!p0 s5, $0x0  }
0x1f: {  	s9 =	smul.u32 $0xF7A, s1;
	s8 =	simm.s32 @!p0 $0x1BF5;
	p2 =	por !p2, p0  }
0x20: {  	[sflag:s8] =	ssyncset.s32 @!p0 $0xFFFFF086;
	s6 =	sadd.s32 @!p0 s3, s7;
	s7 =	simm.s32 @!p0 $0x108  }
0x21: {  	s3 =	sadd.s32 s3, s9;
	s6 =	sadd.s32 @!p0 $0x88, s6;
	s7 =	simm.s32 @p2 $0x1082  }
0x22: {  	[simem:s7], [sflag:s8] =	dma.local @!p0 [hbm:s6], $0xF7A  }
0x23: {  	s9 =	sor.u32 $0xD0000000, s2;
	s6 =	simm.s32 $0x108;
	_ =	swait.ge @!p0 [sflag:s8], $0x0  }
0x24: {  	s3 =	sadd.s32 $0x88, s3;
	s6 =	simm.s32 @!p1 $0x1082;
	[sflag:s4] =	ssyncset.s32 $0xFFFFF086  }
0x25: {  	[simem:s6], [sflag:s4] =	dma.local [hbm:s3], $0xF7A  }
0x26: {  	[smem:$0x3F93] =	sst s1;
	(tag) =	ssettag s2;
	_ =	strace s9  }
0x27: {  	s1 =	sld [smem:$0x3FA3]  }
0x28: {  	s2 =	sld [smem:$0x3FA4]  }
0x29: {  	s4 =	sld [smem:$0x3FA6]  }
0x2a: {  	p0 =	seq.s32 s5, $0x0;
	s5 =	sld [smem:$0x3FA7]  }
0x2b: {  	s6 =	sld [smem:$0x3FA8]  }
0x2c: {  	s7 =	sld [smem:$0x3FA9]  }
0x2d: {  	s3 =	simm.s32 $0x108;
	s8 =	sld [smem:$0x3FAA]  }
0x2e: {  	s3 =	simm.s32 @!p0 $0x1082;
	s9 =	sld [smem:$0x3FAB]  }
0x2f: {  	lr =	sadd.s32 s0, s3;
	s0 =	sld [smem:$0x3FA2]  }
0x30: {  	s3 =	sld [smem:$0x3FA5]  }
0x31: {  	[smem:$0x3FAE] =	sst s10  }
0x32: {  	s10 =	sld [smem:$0x3FAC];
	_ =	sdelay $0x3  }
0x33: {  	p0 =	seq.s32 s10, $0x1;
	s10 =	sld [smem:$0x3FAE];
	_ =	sdelay $0x3  }
0x34: {  	[smem:$0x3FAE] =	sst s10  }
0x35: {  	s10 =	sld [smem:$0x3FAD];
	_ =	sdelay $0x3  }
0x36: {  	p1 =	seq.s32 s10, $0x1;
	s10 =	sld [smem:$0x3FAE];
	_ =	sdelay $0x3  }
0x37: {  	[smem:$0x3FAE] =	sst s10  }
0x38: {  	s10 =	sld [smem:$0x3FAF]  }
0x39: {  	_ = 	snop;
	(pc) =	sbr.ind lr, $3  }
0x3a: {  	_ = 	snop  }
0x3b: {  	_ = 	snop  }
0x3c: {  	p2 =	seq.s32 s10, $0x1;
	s10 =	sld [smem:$0x3FAE]  }
0x3d: {  	_ =	shalt  }
0x3e: {  	_ =	shalt  }
0x3f: {  	_ =	shalt  }
0x40: {  	_ =	shalt  }
0x41: {  	_ =	shalt  }
0x42: {  	_ =	shalt  }
0x43: {  	_ =	shalt  }
0x44: {  	_ =	shalt  }
0x45: {  	_ =	shalt  }
0x46: {  	_ =	shalt  }
0x47: {  	_ =	shalt  }
0x48: {  	_ =	shalt  }
0x49: {  	_ =	shalt  }
0x4a: {  	_ =	shalt  }
0x4b: {  	_ =	shalt  }
0x4c: {  	_ =	shalt  }
0x4d: {  	_ =	shalt  }
0x4e: {  	_ =	shalt  }
0x4f: {  	_ =	shalt  }
0x50: {  	_ =	shalt  }
0x51: {  	_ =	shalt  }
0x52: {  	_ =	shalt  }
0x53: {  	_ =	shalt  }
0x54: {  	_ =	shalt  }
0x55: {  	_ =	shalt  }
0x56: {  	_ =	shalt  }
0x57: {  	_ =	shalt  }
0x58: {  	_ =	shalt  }
0x59: {  	_ =	shalt  }
0x5a: {  	_ =	shalt  }
0x5b: {  	_ =	shalt  }
0x5c: {  	_ =	shalt  }
0x5d: {  	_ =	shalt  }
0x5e: {  	_ =	shalt  }
0x5f: {  	_ =	shalt  }
0x60: {  	_ =	shalt  }
0x61: {  	_ =	shalt  }
0x62: {  	_ =	shalt  }
0x63: {  	_ =	shalt  }
0x64: {  	_ =	shalt  }
0x65: {  	_ =	shalt  }
0x66: {  	_ =	shalt  }
0x67: {  	_ =	shalt  }
0x68: {  	_ =	shalt  }
0x69: {  	_ =	shalt  }
0x6a: {  	_ =	shalt  }
0x6b: {  	_ =	shalt  }
0x6c: {  	_ =	shalt  }
0x6d: {  	_ =	shalt  }
0x6e: {  	_ =	shalt  }
0x6f: {  	_ =	shalt  }
0x70: {  	_ =	shalt  }
0x71: {  	_ =	shalt  }
0x72: {  	_ =	shalt  }
0x73: {  	_ =	shalt  }
0x74: {  	_ =	shalt  }
0x75: {  	_ =	shalt  }
0x76: {  	_ =	shalt  }
0x77: {  	_ =	shalt  }
0x78: {  	_ =	shalt  }
0x79: {  	_ =	shalt  }
0x7a: {  	_ =	shalt  }
0x7b: {  	_ =	shalt  }
0x7c: {  	_ =	shalt  }
0x7d: {  	_ =	shalt  }
0x7e: {  	_ =	shalt  }
0x7f: {  	_ =	shalt  }
0x80: {  	_ =	shalt  }
0x81: {  	_ =	shalt  }
0x82: {  	_ =	shalt  }
0x83: {  	_ =	shalt  }
0x84: {  	_ =	shalt  }
0x85: {  	_ =	shalt  }
0x86: {  	_ =	shalt  }
0x87: {  	_ =	shalt  }
.Lfunc_end0:
.L_simem_size_0:
called_computation_lowered:
.L_overlay_start_0:
0x88: {  	s2 =	sld [smem:$0x3FD9]  }
0x89: {  	s3 =	sld [smem:$0x3FFE];
	_ =	sdelay $0x1  }
0x8a: {  	s1 =	srdreg.scid  }
0x8b: {  	s0 =	sand.u32 $0x1, s1  }
0x8c: {  	s16 =	sshll.u32 s0, $0xA;
	s2 =	sadd.s32 s3, s2  }
0x8d: {  	s2 =	sadd.s32 s2, s16  }
0x8e: {  	[smem:$0x3FBA] =	sst s2  }
0x8f: {  	_ = 	snop  }
0x90: {  	(tm) =	ssettm $0x1  }
0x91: {  	s17 =	sld [smem:$0x3FFB];
	_ =	sdelay $0x3  }
0x92: {  	_ =	strace s17  }
0x93: {  	s2 =	sld [smem:$0x3FFC];
	_ =	sdelay $0x3  }
0x94: {  	_ =	strace s2  }
0x95: {  	s2 =	sld [smem:$0x3FFD];
	_ =	sdelay $0x3  }
0x96: {  	_ =	strace s2  }
0x97: {  	_ =	strace $0x8FFFFFFF  }
0x98: {  	s18 =	sld [smem:$0x3FDB];
	_ =	sdelay $0x1  }
0x99: {  	s19 =	simm.s32 $_scs_section_size  }
0x9a: {  	s4 =	simm.s32 $_size__tile_overlayer_lowered;
	s5 =	simm.s32 $_tile_overlayer_lowered  }
0x9b: {  	s22 =	simm.s32 $0x1BFF;
	s21 =	sshll.u32 s5, $0x1;
	s2 =	sadd.s32 s19, s18  }
0x9c: {  	s6 =	simm.s32 $0x0;
	s20 =	sshll.u32 s4, $0x1;
	s4 =	sadd.s32 s21, s2  }
0x9d: {  	[timem:s6], [sflag:s22] =	dma.local [hbm:s4], s20  }
0x9e: {  	_ =	swait.ge [sflag:s22], s20  }
0x9f: {  	s3 =	ssub.s32 $0x0, s20;
	[sflag:s22] =	ssyncset.done $0x0  }
0xa0: {  	[sflag:s22] =	ssyncadd.s32 s3;
	_ =	sdelay $0x1  }
0xa1: {  	s23 =	simm.s32 $0x1B8B  }
0xa2: {  	_ =	swait.ge [sflag:s23], $0x1  }
0xa3: {  	[sflag:s23] =	ssyncset.done $0x0  }
0xa4: {  	s25 =	simm.s32 $0x1B8E;
	s24 =	sld [smem:$0x3FFE];
	[sflag:s23] =	ssyncadd.s32 $0xFFFFFFFF  }
0xa5: {  	s26 =	simm.s32 $execute0_lowered;
	[smem:$0x3FD2] =	sst s25  }
0xa6: {  	s4 =	sshll.u32 s26, $0x1;
	_ =	strace $0x80000046;
	[dreg:$0x1] =	wrdreg $0xFFFFFFFF  }
0xa7: {  	s28 =	simm.s32 $_size_execute0_lowered;
	s2 =	sadd.s32 s2, s4;
	[dreg:$0x0] =	wrdreg $0x0  }
0xa8: {  	s4 =	sshll.u32 s28, $0x1;
	[dreg:$0x2] =	wrdreg s2  }
0xa9: {  	[dreg:$0x3] =	wrdreg s4  }
0xaa: {  	[dreg:$0x4] =	wrdreg $0xC0  }
0xab: {  	_ =	task [dreg:s6], $0x5FFFF  }
0xac: {  	[dreg:$0x1] =	wrdreg $0xFFFFFFFF  }
0xad: {  	[dreg:$0x0] =	wrdreg $0x60  }
0xae: {  	[dreg:$0x2] =	wrdreg s24  }
0xaf: {  	[dreg:$0x3] =	wrdreg $0xA0000  }
0xb0: {  	[dreg:$0x4] =	wrdreg $0x9  }
0xb1: {  	_ =	task.clear_ibuf [dreg:s6], $0x5FFFF;
	_ =	strace $0x90000046  }
0xb2: {  	s29 =	simm.s32 $0x9;
	_ =	strace $0x80000048  }
0xb3: {  	_ =	swait.ge [sflag:s29], $0x1  }
0xb4: {  	[sflag:s29] =	ssyncadd.s32 $0xFFFFFFFF  }
0xb5: {  	_ =	strace $0x90000048  }
0xb6: {  	_ =	sfence  }
0xb7: {  	s30 =	sld [smem:$0x0];
	_ =	sdelay $0x2  }
0xb8: {  	s31 =	sshll.u32 s1, $0xD;
	s1 =	sshrl.u32 s1, $0x2  }
0xb9: {  	s3 =	sand.u32 $0x4000, s31;
	s1 =	sadd.s32 s1, s30  }
0xba: {  	s0 =	sor.u32 s3, s0;
	s1 =	sshll.u32 s1, $0x11  }
0xbb: {  	s0 =	sor.u32 s1, s0  }
0xbc: {  	s0 =	sadd.s32 $0x8F2B, s0  }
0xbd: {  	[sflag:s0] =	ssyncadd.remote.s32 $0x1  }
0xbe: {  	_ =	sfence.sel $0xFFFF  }
0xbf: {  	[dreg:$0x0] =	wrdreg $0xFFFFFFFF;
	(pc) =	sbr.abs _section_cstart, $3  }
0xc0: {  	[dreg:$0x1] =	wrdreg $0xFFFFFFFF  }
0xc1: {  	_ =	task.clear_ibuf [dreg:s6], $0x2FFFF;
	_ =	strace $0x9FFFFFFF  }
0xc2: {  	(tm) =	ssettm $0x7FFFFFFF  }
0xc3: {  	_ =	shalt  }
tec
execute0_lowered:
.L_overlay_start_1:
0x0: {  	(tag) =	ssettag $0x1  }
0x1: {  	s7 =	rddreg [dreg:$0x0]  }
0x2: {  	s2 =	rddreg [dreg:$0x1]  }
0x3: {  	s0 =	rddreg [dreg:$0x2];
	s3 =	simm.s32 $0x0;
	s1 =	stileid.u32  }
0x4: {  	s4 =	srdreg.scid;
	s14 =	simm.s32 $0x1000;
	s15 =	simm.s32 $0x80  }
0x5: {  	s16 =	simm.s32 $0x2000;
	s17 =	simm.s32 $0x6000;
	s18 =	simm.s32 $0x1  }
0x6: {  	s19 =	simm.s32 $0x2;
	s21 =	simm.s32 $0x1F00;
	s22 =	simm.s32 $0x1F80  }
0x7: {  	[smem:$0x7FF] =	sst s3;
	s8 =	smul.u32 $0x13C00, s1;
	s20 =	sand.u32 $0x1, s4  }
0x8: {  	s4 =	sadd.s32 $0x15E00, s7;
	s5 =	sadd.s32 $0xBE00, s7;
	s6 =	sadd.s32 $0x1E00, s7  }
0x9: {  	s26 =	smul.u32 $0x4F000, s1;
	s30 =	sshll.u32 s1, $0x6;
	s31 =	sshll.u32 s1, $0xC  }
0xa: {  	_ =	strace $0x80000047;
	s9 =	smul.u32 $0x13C000, s20;
	s11 =	ssub.s32 $0x2, s20  }
0xb: {  	p0 =	seq.s32 s20, $0x0;
	s10 =	sshrl.u32 s8, $0x3;
	s28 =	sshrl.u32 s11, $0x1  }
0xc: {  	s29 =	sshrl.u32 s26, $0x2;
	s8 =	sadd.s32 s8, s9;
	s10 =	sadd.s32 s10, s7  }
0xd: {  	s11 =	ssub.s32 s11, s28;
	s13 =	sadd.s32 s29, s2;
	s8 =	sshrl.u32 s8, $0x3  }
0xe: {  	s9 =	sor.u32 $0x40000, s31;
	s11 =	smax.u32 s11, $0x1;
	s12 =	sadd.s32 s8, s7  }
0xf: {  	s7 =	sadd.s32 $0x3D000, s10;
	s8 =	sor.u32 $0x1C03, s30;
	s10 =	sshll.u32 s1, $0xE  }
0x10: {  	s9 =	smov.u32 @p0 s10;
	s10 =	sadd.s32 $0x64800, s12;
	s12 =	sshrl.u32 s13, $0x3  }
0x11: {  	s13 =	simm.s32 $0x3;
	p0 =	sne.s32 s20, $0x0;
	s20 =	simm.s32 $0xF80  }
.LBB2_1:
0x12: {  	[spmem:s12], [sflag:s8] =	dma.local [hbm:s7], $0x2780  }
0x13: {  	_ =	swait.ge [sflag:s13], $0x2780  }
0x14: {  	[sflag:s13] =	ssyncset.done $0x0  }
0x15: {  	[sflag:s13] =	ssyncadd.s32 $0xFFFFD880  }
0x16: {  	s23 =	simm.s32 $0x0;
	[bflag:$0x0] =	sbarrier.arrive $0xFFFF  }
.LBB2_2:
0x17: {  	s24 =	sshll.u32 s23, $0xC  }
0x18: {  	s24 =	sadd.s32 s9, s24  }
0x19: {  	s24 =	sshrl.u32 s24, $0x3  }
0x1a: {  	s26 =	simm.s32 $0x0;
	s25 =	sadd.s32 s5, s24  }
0x1b: {  	[tilespmem:s26], [sflag:$0x3] =	stream.linear.gather [hbm4b:s25+s26], $0x1000, $0x38;
	[tilespmem:$0x1DC00] =	vst v63  }
0x1c: {  	_ =	swait.ge [sflag:s13], $0x1000  }
0x1d: {  	[sflag:s13] =	ssyncset.done $0x0  }
0x1e: {  	s24 =	sadd.s32 s6, s24;
	[sflag:s13] =	ssyncadd.s32 $0xFFFFF000  }
0x1f: {  	[tilespmem:s14], [sflag:$0x3] =	stream.linear.gather [hbm4b:s24+s26], $0x1000, $0x38;
	[tilespmem:$0x1DC00] =	vst v63  }
0x20: {  	_ =	swait.ge [sflag:s13], $0x1000  }
0x21: {  	[sflag:s13] =	ssyncset.done $0x0  }
0x22: {  	[sflag:s13] =	ssyncadd.s32 $0xFFFFF000  }
0x23: {  	[tilespmem:s16], [sflag:$0x1] =	stream.indirect.gather [hbm4b:s4+s15], $0x80, s26, s15, $0xb8;
	[tilespmem:$0x1DC00] =	vst v63  }
0x24: {  	s28 =	simm.s32 $0x80  }
0x25: {  	[tilespmem:s17], [sflag:$0x2] =	stream.indirect.gather [hbm4b:s4+s15], $0x80, s28, s15, $0xb8;
	[tilespmem:$0x1DC00] =	vst v63  }
0x26: {  	_ =	swait.ge [sflag:s18], $0x4000  }
0x27: {  	[sflag:s18] =	ssyncset.done $0x0  }
0x28: {  	s29 =	simm.s32 $0x1000;
	[sflag:s18] =	ssyncadd.s32 $0xFFFFC000  }
0x29: {  	[spmem:s2] =	stream.indirect.scatter.add.f32 [tilespmem:s16], [sflag:$0x3], $0x80, s29, s15, $0xb8;
	[tilespmem:$0x1DC00] =	vst v63  }
0x2a: {  	_ =	swait.ge [sflag:s13], $0x4000  }
0x2b: {  	[sflag:s13] =	ssyncset.done $0x0  }
0x2c: {  	s30 =	simm.s32 $0x100;
	[sflag:s13] =	ssyncadd.s32 $0xFFFFC000  }
0x2d: {  	[tilespmem:s16], [sflag:$0x1] =	stream.indirect.gather [hbm4b:s4+s15], $0x80, s30, s15, $0xb8;
	[tilespmem:$0x1DC00] =	vst v63  }
0x2e: {  	_ =	swait.ge [sflag:s19], $0x4000  }
0x2f: {  	[sflag:s19] =	ssyncset.done $0x0  }
0x30: {  	s31 =	simm.s32 $0x1080;
	[sflag:s19] =	ssyncadd.s32 $0xFFFFC000  }
0x31: {  	[spmem:s2] =	stream.indirect.scatter.add.f32 [tilespmem:s17], [sflag:$0x3], $0x80, s31, s15, $0xb8;
	[tilespmem:$0x1DC00] =	vst v63  }
0x32: {  	_ =	swait.ge [sflag:s13], $0x4000  }
0x33: {  	s25 =	simm.s32 $0x800;
	s24 =	simm.s32 $0x100;
	[sflag:s13] =	ssyncset.done $0x0  }
.LBB2_3:
0x34: {  	s26 =	sadd.s32 $0x80, s24  }
0x35: {  	[sflag:s13] =	ssyncadd.s32 $0xFFFFC000;
	s28 =	smov.u32 s25;
	s29 =	sadd.s32 $0x400, s25  }
0x36: {  	[tilespmem:s17], [sflag:$0x2] =	stream.indirect.gather [hbm4b:s4+s15], $0x80, s26, s15, $0xb8;
	[tilespmem:$0x1DC00] =	vst v63  }
0x37: {  	p1 =	sne.s32 s25, $0x3800;
	_ =	swait.ge [sflag:s18], $0x4000  }
0x38: {  	[sflag:s18] =	ssyncset.done $0x0  }
0x39: {  	s25 =	sadd.s32 $0x1000, s24;
	[sflag:s18] =	ssyncadd.s32 $0xFFFFC000  }
0x3a: {  	[spmem:s2] =	stream.indirect.scatter.add.f32 [tilespmem:s16], [sflag:$0x3], $0x80, s25, s15, $0xb8;
	[tilespmem:$0x1DC00] =	vst v63  }
0x3b: {  	_ =	swait.ge [sflag:s13], $0x4000  }
0x3c: {  	[sflag:s13] =	ssyncset.done $0x0  }
0x3d: {  	s25 =	sadd.s32 $0x100, s24;
	[sflag:s13] =	ssyncadd.s32 $0xFFFFC000  }
0x3e: {  	[tilespmem:s16], [sflag:$0x1] =	stream.indirect.gather [hbm4b:s4+s15], $0x80, s25, s15, $0xb8;
	[tilespmem:$0x1DC00] =	vst v63  }
0x3f: {  	_ =	swait.ge [sflag:s19], $0x4000  }
.Ltmp0:
0x40: {  	[sflag:s19] =	ssyncset.done $0x0;
	(pc) =	sbr.rel @p1 .LBB2_3-.Ltmp0, $4  }
0x41: {  	s24 =	sadd.s32 $0x1080, s24;
	[sflag:s19] =	ssyncadd.s32 $0xFFFFC000  }
0x42: {  	[spmem:s2] =	stream.indirect.scatter.add.f32 [tilespmem:s17], [sflag:$0x3], $0x80, s24, s15, $0xb8;
	[tilespmem:$0x1DC00] =	vst v63  }
0x43: {  	_ =	swait.ge [sflag:s13], $0x4000  }
0x44: {  	s25 =	smov.u32 s29;
	s24 =	sshra.s32 s28, $0x2;
	[sflag:s13] =	ssyncset.done $0x0  }
0x45: {  	s25 =	sadd.s32 $0x80, s24;
	[sflag:s13] =	ssyncadd.s32 $0xFFFFC000  }
0x46: {  	[tilespmem:s17], [sflag:$0x2] =	stream.indirect.gather [hbm4b:s4+s15], $0x80, s25, s15, $0xb8;
	[tilespmem:$0x1DC00] =	vst v63  }
0x47: {  	_ =	swait.ge [sflag:s18], $0x4000  }
0x48: {  	[sflag:s18] =	ssyncset.done $0x0  }
0x49: {  	s29 =	sadd.s32 $0x1000, s24;
	[sflag:s18] =	ssyncadd.s32 $0xFFFFC000  }
0x4a: {  	[spmem:s2] =	stream.indirect.scatter.add.f32 [tilespmem:s16], [sflag:$0x3], $0x80, s29, s15, $0xb8;
	[tilespmem:$0x1DC00] =	vst v63  }
0x4b: {  	_ =	swait.ge [sflag:s13], $0x4000  }
0x4c: {  	[sflag:s13] =	ssyncset.done $0x0  }
0x4d: {  	s30 =	sadd.s32 $0x100, s24;
	[sflag:s13] =	ssyncadd.s32 $0xFFFFC000  }
0x4e: {  	[tilespmem:s16], [sflag:$0x1] =	stream.indirect.gather [hbm4b:s4+s15], $0x80, s30, s15, $0xb8;
	[tilespmem:$0x1DC00] =	vst v63  }
0x4f: {  	_ =	swait.ge [sflag:s19], $0x4000  }
0x50: {  	[sflag:s19] =	ssyncset.done $0x0  }
0x51: {  	s31 =	sadd.s32 $0x1080, s24;
	[sflag:s19] =	ssyncadd.s32 $0xFFFFC000  }
0x52: {  	[spmem:s2] =	stream.indirect.scatter.add.f32 [tilespmem:s17], [sflag:$0x3], $0x80, s31, s15, $0xb8;
	[tilespmem:$0x1DC00] =	vst v63  }
0x53: {  	_ =	swait.ge [sflag:s13], $0x4000  }
0x54: {  	[sflag:s13] =	ssyncset.done $0x0  }
0x55: {  	[sflag:s13] =	ssyncadd.s32 $0xFFFFC000  }
0x56: {  	[tilespmem:s17], [sflag:$0x2] =	stream.indirect.gather [hbm4b:s4+s15], $0x80, s20, s15, $0xb8;
	[tilespmem:$0x1DC00] =	vst v63  }
0x57: {  	_ =	swait.ge [sflag:s18], $0x4000  }
0x58: {  	[sflag:s18] =	ssyncset.done $0x0  }
0x59: {  	[sflag:s18] =	ssyncadd.s32 $0xFFFFC000  }
0x5a: {  	[spmem:s2] =	stream.indirect.scatter.add.f32 [tilespmem:s16], [sflag:$0x3], $0x80, s21, s15, $0xb8;
	[tilespmem:$0x1DC00] =	vst v63  }
0x5b: {  	_ =	swait.ge [sflag:s13], $0x4000  }
0x5c: {  	[sflag:s13] =	ssyncset.done $0x0  }
0x5d: {  	[sflag:s13] =	ssyncadd.s32 $0xFFFFC000  }
0x5e: {  	p1 =	slt.u32 @!p0 s23, $0x3;
	_ =	swait.ge [sflag:s19], $0x4000  }
0x5f: {  	p1 =	por p0, !p1;
	[sflag:s19] =	ssyncset.done $0x0  }
.Ltmp1:
0x60: {  	[sflag:s19] =	ssyncadd.s32 $0xFFFFC000;
	(pc) =	sbr.rel @!p1 .LBB2_2-.Ltmp1, $4  }
0x61: {  	[spmem:s2] =	stream.indirect.scatter.add.f32 [tilespmem:s17], [sflag:$0x3], $0x80, s22, s15, $0xb8;
	[tilespmem:$0x1DC00] =	vst v63  }
0x62: {  	_ =	swait.ge [sflag:s13], $0x4000  }
0x63: {  	[sflag:s13] =	ssyncset.done $0x0  }
0x64: {  	s23 =	sadd.s32 $0x1, s23;
	[sflag:s13] =	ssyncadd.s32 $0xFFFFC000  }
0x65: {  	s3 =	sadd.s32 $0x1, s3  }
0x66: {  	p1 =	sne.s32 s3, s11  }
.Ltmp2:
0x67: {  	[bflag:$0x0] =	sbarrier.arrive $0xFFFF;
	(pc) =	sbr.rel @p1 .LBB2_1-.Ltmp2, $4  }
0x68: {  	[hbm:s10], [sflag:s8] =	dma.local [spmem:s12], $0x2780  }
0x69: {  	_ =	swait.ge [sflag:s13], $0x2780  }
0x6a: {  	[sflag:s13] =	ssyncset.done $0x0  }
0x6b: {  	[sflag:s13] =	ssyncadd.s32 $0xFFFFD880  }
0x6c: {  	_ =	sfence.sel $0x180000  }
0x6d: {  	[bflag:$0x0] =	sbarrier.arrive $0xFFFF  }
0x6e: {  	p0 =	sne.s32 s1, $0x0;
	_ =	strace $0x90000047  }
0x6f: {  	s0 =	sadd.s32 @!p0 $0x100000, s0;
	[bflag:$0x2] =	sbarrier.arrive $0xFFFF  }
0x70: {  	[sflag:s0] =	ssyncadd.tile.s32 @!p0 $0x1;
	_ =	shalt  }
.Lfunc_end2:
_tile_overlayer_lowered:
.L_overlay_start_2:
0x71: {  	(tag) =	ssettag $0x2  }
0x72: {  	s0 =	rddreg [dreg:$0x0];
	s2 =	stileid.u32  }
0x73: {  	s1 =	rddreg [dreg:$0x1];
	p0 =	sne.s32 s2, $0x0  }
0x74: {  	s3 =	rddreg [dreg:$0x2];
	[bflag:$0x3] =	sbarrier.arrive $0xFFFF;
	s2 =	simm.s32 @!p0 $0x1C03  }
0x75: {  	[timem:s3], [sflag:s2] =	dma.local @!p0 [hbm:s0], s1  }
0x76: {  	s0 =	simm.s32 @!p0 $0x3  }
0x77: {  	_ =	swait.ge @!p0 [sflag:s0], s1  }
0x78: {  	s1 =	ssub.s32 @!p0 $0x0, s1;
	[sflag:s0] =	ssyncset.done @!p0 $0x0  }
0x79: {  	[sflag:s0] =	ssyncadd.s32 @!p0 s1  }
0x7a: {  	[bflag:$0x3] =	sbarrier.arrive $0xFFFF  }
0x7b: {  	_ =	shalt  }

</sc_bundles>
